<compile_context>
chip_gen: v7x
topology: tpu7x:2x2x1
jax: 0.10.2.dev20260603
libtpu: 0.0.44.dev20260713+nightly
codegen_flags: <defaults>
</compile_context>

<pallas_src>
import dataclasses
import functools

import jax
import jax.numpy as jnp
from jax import lax
from jax.experimental import pallas as pl
from jax.experimental.pallas import tpu as pltpu
from jax.experimental.pallas import tpu_sc as plsc

B = 128
N = 64
EPG = 512
IN = 128
HID = 64
LAT = 32
E = B * EPG
GPW = 16
NW = B // GPW
EPW = GPW * EPG
WPW = GPW * N * N


def _adj_sc(rows, cols, zeros_hbm):
    mesh = plsc.VectorSubcoreMesh(core_axis_name="c", subcore_axis_name="s")
    cp = pltpu.CompilerParams()
    if "needs_layout_passes" in pltpu.CompilerParams.__dataclass_fields__:
        cp = dataclasses.replace(cp, needs_layout_passes=False)

    @functools.partial(
        pl.kernel,
        compiler_params=cp,
        out_type=[
            jax.ShapeDtypeStruct((B * N * N,), jnp.float32),
            jax.ShapeDtypeStruct((B * N * N,), jnp.float32),
            jax.ShapeDtypeStruct((B * N,), jnp.float32),
        ],
        mesh=mesh,
        scratch_types=[
            pltpu.VMEM((EPW,), jnp.int32),
            pltpu.VMEM((EPW,), jnp.int32),
            pltpu.VMEM((WPW,), jnp.float32),
            pltpu.VMEM((GPW * N,), jnp.float32),
            pltpu.SemaphoreType.DMA,
        ],
    )
    def k(rows_hbm, cols_hbm, zeros_hbm, adj_out, adjt_out, deg_out,
          rv, cv, counts, degc, sem):
        wid = lax.axis_index("s") * 2 + lax.axis_index("c")

        @pl.when(wid < 2 * NW)
        def _():
            gw = wid % NW
            is_adj = wid < NW
            ebase = gw * EPW
            cps = [pltpu.async_copy(zeros_hbm, counts, sem),
                   pltpu.async_copy(zeros_hbm.at[pl.ds(0, GPW * N)], degc, sem),
                   pltpu.async_copy(rows_hbm.at[pl.ds(ebase, EPW)], rv, sem),
                   pltpu.async_copy(cols_hbm.at[pl.ds(ebase, EPW)], cv, sem)]
            for cp in cps:
                cp.wait()

            iota16 = lax.iota(jnp.int32, 16)
            lane_base = iota16 * (N * N)
            gather_base = iota16 * EPG
            ones16 = jnp.ones((16,), jnp.float32)
            degmask = jnp.broadcast_to(is_adj, (16,))
            UNROLL = 8

            def edge_step(i, c):
                for u in range(UNROLL):
                    e = i * UNROLL + u
                    r = plsc.load_gather(rv, [gather_base + e])
                    cc = plsc.load_gather(cv, [gather_base + e])
                    rloc = r & (N - 1)
                    cloc = cc & (N - 1)
                    fi = jnp.where(is_adj, rloc * N + cloc, cloc * N + rloc)
                    plsc.addupdate_scatter(counts, [lane_base + fi], ones16)
                    plsc.addupdate_scatter(degc, [iota16 * N + cloc], ones16,
                                           mask=degmask)
                return c

            lax.fori_loop(0, EPG // UNROLL, edge_step, 0)

            obase = gw * WPW

            @pl.when(is_adj)
            def _():
                pltpu.sync_copy(counts, adj_out.at[pl.ds(obase, WPW)])
                pltpu.sync_copy(degc, deg_out.at[pl.ds(gw * GPW * N, GPW * N)])

            @pl.when(jnp.logical_not(is_adj))
            def _():
                pltpu.sync_copy(counts, adjt_out.at[pl.ds(obase, WPW)])

    return k(rows, cols, zeros_hbm)


def _dense_body(x_ref, adjt_ref, degc_ref, eps_ref,
                w1_ref, b1_ref, g1_ref, be1_ref,
                w2_ref, b2_ref, g2_ref, be2_ref,
                w3_ref, b3_ref, g3_ref, be3_ref,
                muw_ref, mub_ref, lvw_ref, lvb_ref,
                d1w_ref, d1b_ref, d2w_ref, d2b_ref,
                pw_ref, pb_ref, e1a_ref, e1b_ref, e1bias_ref,
                e2v_ref, e2b_ref,
                logits_ref, mu_ref, lv_ref,
                a1_s, a2_s):
    x = x_ref[...]
    dinv = lax.rsqrt(degc_ref[...] + 1.0)

    row_i = lax.broadcasted_iota(jnp.int32, (N, N), 0)
    col_i = lax.broadcasted_iota(jnp.int32, (N, N), 1)
    eye = jnp.where(row_i == col_i, 1.0, 0.0).astype(jnp.float32)
    at_aug = adjt_ref[...] + eye[None, :, :]

    def gcn_bn_layer(h, w_ref, b_ref, g_ref, be_ref):
        hw = jnp.dot(h, w_ref[...]) * dinv
        hw3 = hw.reshape(B, N, HID)
        agg3 = lax.dot_general(at_aug, hw3,
                               (((2,), (1,)), ((0,), (0,))))
        agg = agg3.reshape(B * N, HID) * dinv + b_ref[...]
        m = jnp.mean(agg, axis=0, keepdims=True)
        msq = jnp.mean(agg * agg, axis=0, keepdims=True)
        v = msq - m * m
        hn = (agg - m) * lax.rsqrt(v + 1e-5) * g_ref[...] + be_ref[...]
        return jnp.maximum(hn, 0.2 * hn)

    h = gcn_bn_layer(x, w1_ref, b1_ref, g1_ref, be1_ref)
    h = gcn_bn_layer(h, w2_ref, b2_ref, g2_ref, be2_ref)
    h = gcn_bn_layer(h, w3_ref, b3_ref, g3_ref, be3_ref)

    g = h.reshape(B, N, HID).sum(axis=1) * (1.0 / N)
    mu = jnp.dot(g, muw_ref[...]) + mub_ref[...]
    lv = jnp.dot(g, lvw_ref[...]) + lvb_ref[...]
    mu_ref[...] = mu
    lv_ref[...] = lv
    z = mu + jnp.exp(0.5 * lv) * eps_ref[...]
    hg = jnp.dot(z, d1w_ref[...]) + d1b_ref[...]
    hg = jnp.maximum(hg, 0.0)
    hg = jnp.dot(hg, d2w_ref[...]) + d2b_ref[...]

    hn = (jnp.dot(x, pw_ref[...]) + pb_ref[...]).reshape(B, N, HID)
    hn = hn + hg[:, None, :]
    hnf = hn.reshape(B * N, HID)
    a1_s[...] = (jnp.dot(hnf, e1a_ref[...]) + e1bias_ref[...]).reshape(B, N, HID)
    a2_s[...] = jnp.dot(hnf, e1b_ref[...]).reshape(B, N, HID)

    e2v = e2v_ref[...]
    e2b = e2b_ref[0, 0]
    GB = 8

    def blk(gb, c):
        a1b = a1_s[pl.ds(gb * GB, GB)]
        a2b = a2_s[pl.ds(gb * GB, GB)]
        p = a1b[:, :, None, :] + a2b[:, None, :, :]
        r = jnp.maximum(p, 0.0)
        s = jnp.sum(r * e2v, axis=-1) + e2b
        logits_ref[pl.ds(gb * GB, GB)] = s
        return c

    lax.fori_loop(0, B // GB, blk, 0)


def kernel(x, params, edge_index, batch):
    p = params
    rows = edge_index[0]
    cols = edge_index[1]

    zeros_hbm = jnp.zeros((WPW,), jnp.float32)
    adj_flat, adjt_flat, deg_cnt = _adj_sc(rows, cols, zeros_hbm)
    adj_gt = adj_flat.reshape(B, N, N)
    adjt = adjt_flat.reshape(B, N, N)

    eps = jax.random.normal(jax.random.key(42), (B, LAT), dtype=jnp.float32)

    def r2(a):
        return a.reshape(1, -1)

    logits, mu, logvar = pl.pallas_call(
        _dense_body,
        out_shape=[
            jax.ShapeDtypeStruct((B, N, N), jnp.float32),
            jax.ShapeDtypeStruct((B, LAT), jnp.float32),
            jax.ShapeDtypeStruct((B, LAT), jnp.float32),
        ],
        in_specs=[pl.BlockSpec(memory_space=pltpu.VMEM)] * 30 + [
            pl.BlockSpec(memory_space=pltpu.SMEM)],
        out_specs=[pl.BlockSpec(memory_space=pltpu.VMEM)] * 3,
        scratch_shapes=[
            pltpu.VMEM((B, N, HID), jnp.float32),
            pltpu.VMEM((B, N, HID), jnp.float32),
        ],
    )(
        x, adjt, deg_cnt.reshape(B * N, 1), eps,
        p['conv1_w'], r2(p['conv1_b']), r2(p['bn1_g']), r2(p['bn1_b']),
        p['conv2_w'], r2(p['conv2_b']), r2(p['bn2_g']), r2(p['bn2_b']),
        p['conv3_w'], r2(p['conv3_b']), r2(p['bn3_g']), r2(p['bn3_b']),
        p['mu_w'], r2(p['mu_b']), p['lv_w'], r2(p['lv_b']),
        p['dec1_w'], r2(p['dec1_b']), p['dec2_w'], r2(p['dec2_b']),
        p['proj_w'], r2(p['proj_b']),
        p['ed1_w'][:HID], p['ed1_w'][HID:], r2(p['ed1_b']),
        p['ed2_w'].reshape(1, HID), p['ed2_b'].reshape(1, 1),
    )

    mask = jnp.ones((B, N), dtype=bool)
    return logits, adj_gt, mask, mu, logvar

# --- scband reference (transcript-rebuilt; emitter-appended) ---
"""Pipeline reference for scband-graph-level-vae-5265629905237 (READ-ONLY COPY).

The authoritative reference and input builder live on the scoring server;
editing this copy changes nothing except your own understanding.
"""

import jax, jax.numpy as jnp
import numpy as np

B = 128; N = 64; EPG = 512; IN = 128; HID = 64; LAT = 32

def _lin(key, i, o):
    return jax.random.normal(key, (i, o), dtype=jnp.float32) * 0.05, jnp.zeros((o,), dtype=jnp.float32)

def setup_inputs(seed: int = 0):
    key = jax.random.key(seed)
    ks = jax.random.split(key, 16)
    x = jax.random.normal(ks[0], (B * N, IN), dtype=jnp.float32)
    rl = jax.random.randint(ks[1], (B, EPG), 0, N)
    cl = jax.random.randint(ks[2], (B, EPG), 0, N)
    off = (jnp.arange(B) * N)[:, None]
    edge_index = jnp.stack([(rl + off).reshape(-1), (cl + off).reshape(-1)]).astype(jnp.int32)
    batch = jnp.repeat(jnp.arange(B), N).astype(jnp.int32)
    p = {}
    p['conv1_w'], p['conv1_b'] = _lin(ks[3], IN, HID)
    p['conv2_w'], p['conv2_b'] = _lin(ks[4], HID, HID)
    p['conv3_w'], p['conv3_b'] = _lin(ks[5], HID, HID)
    for i in (1, 2, 3):
        p['bn%d_g' % i] = jnp.ones((HID,), jnp.float32)
        p['bn%d_b' % i] = jnp.zeros((HID,), jnp.float32)
    p['proj_w'], p['proj_b'] = _lin(ks[6], IN, HID)
    p['dec1_w'], p['dec1_b'] = _lin(ks[7], LAT, HID)
    p['dec2_w'], p['dec2_b'] = _lin(ks[8], HID, HID)
    p['ed1_w'], p['ed1_b'] = _lin(ks[9], 2 * HID, HID)
    p['ed2_w'], p['ed2_b'] = _lin(ks[10], HID, 1)
    p['mu_w'], p['mu_b'] = _lin(ks[11], HID, LAT)
    p['lv_w'], p['lv_b'] = _lin(ks[12], HID, LAT)
    return {'x': x, 'params': p, 'edge_index': edge_index, 'batch': batch}

def _gcn(x, w, b, row, col, n):
    h = x @ w
    sl = jnp.arange(n)
    r = jnp.concatenate([row, sl])
    c = jnp.concatenate([col, sl])
    deg = jnp.zeros((n,), x.dtype).at[c].add(1.0)
    dinv = 1.0 / jnp.sqrt(deg)
    norm = (dinv[r] * dinv[c])[:, None]
    out = jnp.zeros_like(h).at[c].add(h[r] * norm)
    return out + b

def _bn(x, g, b):
    m = x.mean(0)
    v = x.var(0)
    return (x - m) / jnp.sqrt(v + 1e-5) * g + b

def _lrelu(x):
    return jax.nn.leaky_relu(x, 0.2)

def _forward(x, p, row, col, batch):
    n = x.shape[0]
    h = _lrelu(_bn(_gcn(x, p['conv1_w'], p['conv1_b'], row, col, n), p['bn1_g'], p['bn1_b']))
    h = _lrelu(_bn(_gcn(h, p['conv2_w'], p['conv2_b'], row, col, n), p['bn2_g'], p['bn2_b']))
    h = _lrelu(_bn(_gcn(h, p['conv3_w'], p['conv3_b'], row, col, n), p['bn3_g'], p['bn3_b']))
    g = jax.ops.segment_sum(h, batch, num_segments=B) / N
    mu = g @ p['mu_w'] + p['mu_b']
    logvar = g @ p['lv_w'] + p['lv_b']
    eps = jax.random.normal(jax.random.key(42), mu.shape, dtype=mu.dtype)
    z = mu + jnp.exp(0.5 * logvar) * eps
    hg = jax.nn.relu(z @ p['dec1_w'] + p['dec1_b']) @ p['dec2_w'] + p['dec2_b']
    xd = x.reshape(B, N, IN)
    hn = xd @ p['proj_w'] + p['proj_b'] + hg[:, None, :]
    h1 = jnp.broadcast_to(hn[:, :, None, :], (B, N, N, HID))
    h2 = jnp.broadcast_to(hn[:, None, :, :], (B, N, N, HID))
    pair = jnp.concatenate([h1, h2], axis=-1)
    logits = (jax.nn.relu(pair @ p['ed1_w'] + p['ed1_b']) @ p['ed2_w'] + p['ed2_b'])[..., 0]
    return logits, mu, logvar

def reference(x, params, edge_index, batch):
    row, col = edge_index[0], edge_index[1]
    logits, mu, logvar = _forward(x, params, row, col, batch)
    adj_gt = jnp.zeros((B, N, N), x.dtype).at[row // N, row % N, col % N].add(1.0)
    mask = jnp.ones((B, N), dtype=bool)
    return (logits, adj_gt, mask, mu, logvar)

if __name__ == "__main__":
    import jax
    _d = setup_inputs()
    print(jax.jit(kernel)(*tuple(_d.values())))

</pallas_src>

<mosaic_0001>
#map = affine_map<(d0, d1) -> (0)>
module attributes {stable_mosaic.version = 14 : i64} {
  func.func @k(%arg0: i32, %arg1: i32, %arg2: memref<65536xi32, #tpu.memory_space<hbm>>, %arg3: memref<65536xi32, #tpu.memory_space<hbm>>, %arg4: memref<65536xf32, #tpu.memory_space<hbm>>, %arg5: memref<524288xf32, #tpu.memory_space<hbm>>, %arg6: memref<524288xf32, #tpu.memory_space<hbm>>, %arg7: memref<8192xf32, #tpu.memory_space<hbm>>, %arg8: memref<8192xi32, #tpu.memory_space<vmem>>, %arg9: memref<8192xi32, #tpu.memory_space<vmem>>, %arg10: memref<65536xf32, #tpu.memory_space<vmem>>, %arg11: memref<1024xf32, #tpu.memory_space<vmem>>, %arg12: memref<!tpu.dma_semaphore, #tpu.memory_space<semaphore_mem>>) attributes {dimension_semantics = [#tpu.dimension_semantics<core_parallel>, #tpu.dimension_semantics<subcore_parallel>], iteration_bounds = array<i64: 2, 16>, scalar_prefetch = 0 : i64, scratch_operands = 5 : i64, tpu.core_type = #tpu.core_type<sc_vector_subcore>, window_params = [{transform_indices = #map}, {transform_indices = #map}, {transform_indices = #map}, {transform_indices = #map}, {transform_indices = #map}, {transform_indices = #map}]} {
    %mul3A = arith.constant 2 : i32
    %mul3A_0 = arith.muli %arg1, %mul3A : i32
    %add3A = arith.addi %mul3A_0, %arg0 : i32
    %lt3A = arith.constant 16 : i32
    %lt3A_1 = arith.cmpi slt, %add3A, %lt3A : i32
    %convert_element_type3A = arith.extui %lt3A_1 : i1 to i32
    %cond3A = arith.constant 0 : i32
    %cond3A_2 = arith.cmpi ne, %convert_element_type3A, %cond3A : i32
    scf.if %cond3A_2 {
      %jit3A = arith.constant 8 : i32
      %eq3A = arith.constant 0 : i32
      %eq3A_3 = arith.cmpi eq, %jit3A, %eq3A : i32
      %jit3A_4 = arith.constant 1 : i32
      %select_n3A = arith.select %eq3A_3, %jit3A_4, %jit3A : i32
      %rem3A = arith.remsi %add3A, %select_n3A : i32
      %ne3A = arith.constant 0 : i32
      %ne3A_5 = arith.cmpi ne, %rem3A, %ne3A : i32
      %lt3A_6 = arith.constant 0 : i32
      %lt3A_7 = arith.cmpi slt, %rem3A, %lt3A_6 : i32
      %lt3A_8 = arith.constant 0 : i32
      %lt3A_9 = arith.cmpi slt, %select_n3A, %lt3A_8 : i32
      %ne3A_10 = arith.xori %lt3A_7, %lt3A_9 : i1
      %and3A = arith.andi %ne3A_10, %ne3A_5 : i1
      %add3A_11 = arith.addi %rem3A, %select_n3A : i32
      %select_n3A_12 = arith.select %and3A, %add3A_11, %rem3A : i32
      %lt3A_13 = arith.constant 8 : i32
      %lt3A_14 = arith.cmpi slt, %add3A, %lt3A_13 : i32
      %mul3A_15 = arith.constant 8192 : i32
      %mul3A_16 = arith.muli %select_n3A_12, %mul3A_15 : i32
      tpu.enqueue_dma source(%arg4 : memref<65536xf32, #tpu.memory_space<hbm>>) target(%arg10 : memref<65536xf32, #tpu.memory_space<vmem>>) target_semaphore(%arg12 : memref<!tpu.dma_semaphore, #tpu.memory_space<semaphore_mem>>)
      %dma_start3A = arith.constant 0 : i32
      %dma_start3A_17 = tpu.memref_slice %arg4[%dma_start3A] : memref<65536xf32, #tpu.memory_space<hbm>> -> memref<1024xf32, #tpu.memory_space<hbm>>
      %dma_start3A_18 = arith.constant 0 : i32
      %dma_start3A_19 = tpu.memref_slice %arg4[%dma_start3A_18] : memref<65536xf32, #tpu.memory_space<hbm>> -> memref<1024xf32, #tpu.memory_space<hbm>>
      tpu.enqueue_dma source(%dma_start3A_19 : memref<1024xf32, #tpu.memory_space<hbm>>) target(%arg11 : memref<1024xf32, #tpu.memory_space<vmem>>) target_semaphore(%arg12 : memref<!tpu.dma_semaphore, #tpu.memory_space<semaphore_mem>>)
      %dma_start3A_20 = tpu.memref_slice %arg2[%mul3A_16] : memref<65536xi32, #tpu.memory_space<hbm>> -> memref<8192xi32, #tpu.memory_space<hbm>>
      %dma_start3A_21 = tpu.memref_slice %arg2[%mul3A_16] : memref<65536xi32, #tpu.memory_space<hbm>> -> memref<8192xi32, #tpu.memory_space<hbm>>
      tpu.enqueue_dma source(%dma_start3A_21 : memref<8192xi32, #tpu.memory_space<hbm>>) target(%arg8 : memref<8192xi32, #tpu.memory_space<vmem>>) target_semaphore(%arg12 : memref<!tpu.dma_semaphore, #tpu.memory_space<semaphore_mem>>)
      %dma_start3A_22 = tpu.memref_slice %arg3[%mul3A_16] : memref<65536xi32, #tpu.memory_space<hbm>> -> memref<8192xi32, #tpu.memory_space<hbm>>
      %dma_start3A_23 = tpu.memref_slice %arg3[%mul3A_16] : memref<65536xi32, #tpu.memory_space<hbm>> -> memref<8192xi32, #tpu.memory_space<hbm>>
      tpu.enqueue_dma source(%dma_start3A_23 : memref<8192xi32, #tpu.memory_space<hbm>>) target(%arg9 : memref<8192xi32, #tpu.memory_space<vmem>>) target_semaphore(%arg12 : memref<!tpu.dma_semaphore, #tpu.memory_space<semaphore_mem>>)
      tpu.wait_dma2 semaphore(%arg12 : memref<!tpu.dma_semaphore, #tpu.memory_space<semaphore_mem>>) src(%arg4 : memref<65536xf32, #tpu.memory_space<hbm>>) dst(%arg10 : memref<65536xf32, #tpu.memory_space<vmem>>)
      %dma_wait3A = arith.constant 0 : i32
      %dma_wait3A_24 = tpu.memref_slice %arg4[%dma_wait3A] : memref<65536xf32, #tpu.memory_space<hbm>> -> memref<1024xf32, #tpu.memory_space<hbm>>
      %dma_wait3A_25 = arith.constant 0 : i32
      %dma_wait3A_26 = tpu.memref_slice %arg4[%dma_wait3A_25] : memref<65536xf32, #tpu.memory_space<hbm>> -> memref<1024xf32, #tpu.memory_space<hbm>>
      tpu.wait_dma2 semaphore(%arg12 : memref<!tpu.dma_semaphore, #tpu.memory_space<semaphore_mem>>) src(%dma_wait3A_26 : memref<1024xf32, #tpu.memory_space<hbm>>) dst(%arg11 : memref<1024xf32, #tpu.memory_space<vmem>>)
      %dma_wait3A_27 = tpu.memref_slice %arg2[%mul3A_16] : memref<65536xi32, #tpu.memory_space<hbm>> -> memref<8192xi32, #tpu.memory_space<hbm>>
      %dma_wait3A_28 = tpu.memref_slice %arg2[%mul3A_16] : memref<65536xi32, #tpu.memory_space<hbm>> -> memref<8192xi32, #tpu.memory_space<hbm>>
      tpu.wait_dma2 semaphore(%arg12 : memref<!tpu.dma_semaphore, #tpu.memory_space<semaphore_mem>>) src(%dma_wait3A_28 : memref<8192xi32, #tpu.memory_space<hbm>>) dst(%arg8 : memref<8192xi32, #tpu.memory_space<vmem>>)
      %dma_wait3A_29 = tpu.memref_slice %arg3[%mul3A_16] : memref<65536xi32, #tpu.memory_space<hbm>> -> memref<8192xi32, #tpu.memory_space<hbm>>
      %dma_wait3A_30 = tpu.memref_slice %arg3[%mul3A_16] : memref<65536xi32, #tpu.memory_space<hbm>> -> memref<8192xi32, #tpu.memory_space<hbm>>
      tpu.wait_dma2 semaphore(%arg12 : memref<!tpu.dma_semaphore, #tpu.memory_space<semaphore_mem>>) src(%dma_wait3A_30 : memref<8192xi32, #tpu.memory_space<hbm>>) dst(%arg9 : memref<8192xi32, #tpu.memory_space<vmem>>)
      %iota3A = tpu.iota {dimensions = array<i32: 0>} : vector<16xi32>
      %mul3A_31 = arith.constant 4096 : i32
      %mul3A_32 = vector.broadcast %mul3A_31 : i32 to vector<16xi32>
      %mul3A_33 = arith.muli %iota3A, %mul3A_32 : vector<16xi32>
      %mul3A_34 = arith.constant 512 : i32
      %mul3A_35 = vector.broadcast %mul3A_34 : i32 to vector<16xi32>
      %mul3A_36 = arith.muli %iota3A, %mul3A_35 : vector<16xi32>
      %broadcast_in_dim3A = arith.constant 1.000000e+00 : f32
      %broadcast_in_dim3A_37 = vector.broadcast %broadcast_in_dim3A : f32 to vector<16xf32>
      %broadcast_in_dim3A_38 = vector.broadcast %lt3A_14 : i1 to vector<16xi1>
      %scan3A = arith.constant 0 : i32
      %scan3A_39 = arith.constant 0 : i32
      %scan3A_40 = arith.constant 64 : i32
      %scan3A_41 = arith.addi %scan3A_39, %scan3A_40 : i32
      %scan3A_42 = arith.constant 1 : i32
      scf.for %scan3A_53 = %scan3A_39 to %scan3A_41 step %scan3A_42  : i32 {
        %mul3A_54 = arith.constant 8 : i32
        %mul3A_55 = arith.muli %scan3A_53, %mul3A_54 : i32
        %add3A_56 = arith.constant 0 : i32
        %add3A_57 = arith.addi %mul3A_55, %add3A_56 : i32
        %add3A_58 = vector.broadcast %add3A_57 : i32 to vector<16xi32>
        %add3A_59 = arith.addi %mul3A_36, %add3A_58 : vector<16xi32>
        %gather3A = tpu.vector_load_idx %arg8[%add3A_59] : memref<8192xi32, #tpu.memory_space<vmem>>[vector<16xi32>], vector<16xi32>,
        %add3A_60 = vector.broadcast %add3A_57 : i32 to vector<16xi32>
        %add3A_61 = arith.addi %mul3A_36, %add3A_60 : vector<16xi32>
        %gather3A_62 = tpu.vector_load_idx %arg9[%add3A_61] : memref<8192xi32, #tpu.memory_space<vmem>>[vector<16xi32>], vector<16xi32>,
        %and3A_63 = arith.constant 63 : i32
        %and3A_64 = vector.broadcast %and3A_63 : i32 to vector<16xi32>
        %and3A_65 = arith.andi %gather3A, %and3A_64 : vector<16xi32>
        %and3A_66 = arith.constant 63 : i32
        %and3A_67 = vector.broadcast %and3A_66 : i32 to vector<16xi32>
        %and3A_68 = arith.andi %gather3A_62, %and3A_67 : vector<16xi32>
        %mul3A_69 = arith.constant 64 : i32
        %mul3A_70 = vector.broadcast %mul3A_69 : i32 to vector<16xi32>
        %mul3A_71 = arith.muli %and3A_65, %mul3A_70 : vector<16xi32>
        %add3A_72 = arith.addi %mul3A_71, %and3A_68 : vector<16xi32>
        %mul3A_73 = arith.constant 64 : i32
        %mul3A_74 = vector.broadcast %mul3A_73 : i32 to vector<16xi32>
        %mul3A_75 = arith.muli %and3A_68, %mul3A_74 : vector<16xi32>
        %add3A_76 = arith.addi %mul3A_75, %and3A_65 : vector<16xi32>
        %select_n3A_77 = arith.select %lt3A_14, %add3A_72, %add3A_76 : vector<16xi32>
        %add3A_78 = arith.addi %mul3A_33, %select_n3A_77 : vector<16xi32>
        tpu.vector_store_idx %arg10[%add3A_78], %broadcast_in_dim3A_37 {add = true} : memref<65536xf32, #tpu.memory_space<vmem>>[vector<16xi32>], vector<16xf32>,
        %mul3A_79 = arith.constant 64 : i32
        %mul3A_80 = vector.broadcast %mul3A_79 : i32 to vector<16xi32>
        %mul3A_81 = arith.muli %iota3A, %mul3A_80 : vector<16xi32>
        %add3A_82 = arith.addi %mul3A_81, %and3A_68 : vector<16xi32>
        tpu.vector_store_idx %arg11[%add3A_82], %broadcast_in_dim3A_37 masked %broadcast_in_dim3A_38 {add = true} : memref<1024xf32, #tpu.memory_space<vmem>>[vector<16xi32>], vector<16xf32>, vector<16xi1>
        %mul3A_83 = arith.constant 8 : i32
        %mul3A_84 = arith.muli %scan3A_53, %mul3A_83 : i32
        %add3A_85 = arith.constant 1 : i32
        %add3A_86 = arith.addi %mul3A_84, %add3A_85 : i32
        %add3A_87 = vector.broadcast %add3A_86 : i32 to vector<16xi32>
        %add3A_88 = arith.addi %mul3A_36, %add3A_87 : vector<16xi32>
        %gather3A_89 = tpu.vector_load_idx %arg8[%add3A_88] : memref<8192xi32, #tpu.memory_space<vmem>>[vector<16xi32>], vector<16xi32>,
        %add3A_90 = vector.broadcast %add3A_86 : i32 to vector<16xi32>
        %add3A_91 = arith.addi %mul3A_36, %add3A_90 : vector<16xi32>
        %gather3A_92 = tpu.vector_load_idx %arg9[%add3A_91] : memref<8192xi32, #tpu.memory_space<vmem>>[vector<16xi32>], vector<16xi32>,
        %and3A_93 = arith.constant 63 : i32
        %and3A_94 = vector.broadcast %and3A_93 : i32 to vector<16xi32>
        %and3A_95 = arith.andi %gather3A_89, %and3A_94 : vector<16xi32>
        %and3A_96 = arith.constant 63 : i32
        %and3A_97 = vector.broadcast %and3A_96 : i32 to vector<16xi32>
        %and3A_98 = arith.andi %gather3A_92, %and3A_97 : vector<16xi32>
        %mul3A_99 = arith.constant 64 : i32
        %mul3A_100 = vector.broadcast %mul3A_99 : i32 to vector<16xi32>
        %mul3A_101 = arith.muli %and3A_95, %mul3A_100 : vector<16xi32>
        %add3A_102 = arith.addi %mul3A_101, %and3A_98 : vector<16xi32>
        %mul3A_103 = arith.constant 64 : i32
        %mul3A_104 = vector.broadcast %mul3A_103 : i32 to vector<16xi32>
        %mul3A_105 = arith.muli %and3A_98, %mul3A_104 : vector<16xi32>
        %add3A_106 = arith.addi %mul3A_105, %and3A_95 : vector<16xi32>
        %select_n3A_107 = arith.select %lt3A_14, %add3A_102, %add3A_106 : vector<16xi32>
        %add3A_108 = arith.addi %mul3A_33, %select_n3A_107 : vector<16xi32>
        tpu.vector_store_idx %arg10[%add3A_108], %broadcast_in_dim3A_37 {add = true} : memref<65536xf32, #tpu.memory_space<vmem>>[vector<16xi32>], vector<16xf32>,
        %mul3A_109 = arith.constant 64 : i32
        %mul3A_110 = vector.broadcast %mul3A_109 : i32 to vector<16xi32>
        %mul3A_111 = arith.muli %iota3A, %mul3A_110 : vector<16xi32>
        %add3A_112 = arith.addi %mul3A_111, %and3A_98 : vector<16xi32>
        tpu.vector_store_idx %arg11[%add3A_112], %broadcast_in_dim3A_37 masked %broadcast_in_dim3A_38 {add = true} : memref<1024xf32, #tpu.memory_space<vmem>>[vector<16xi32>], vector<16xf32>, vector<16xi1>
        %mul3A_113 = arith.constant 8 : i32
        %mul3A_114 = arith.muli %scan3A_53, %mul3A_113 : i32
        %add3A_115 = arith.constant 2 : i32
        %add3A_116 = arith.addi %mul3A_114, %add3A_115 : i32
        %add3A_117 = vector.broadcast %add3A_116 : i32 to vector<16xi32>
        %add3A_118 = arith.addi %mul3A_36, %add3A_117 : vector<16xi32>
        %gather3A_119 = tpu.vector_load_idx %arg8[%add3A_118] : memref<8192xi32, #tpu.memory_space<vmem>>[vector<16xi32>], vector<16xi32>,
        %add3A_120 = vector.broadcast %add3A_116 : i32 to vector<16xi32>
        %add3A_121 = arith.addi %mul3A_36, %add3A_120 : vector<16xi32>
        %gather3A_122 = tpu.vector_load_idx %arg9[%add3A_121] : memref<8192xi32, #tpu.memory_space<vmem>>[vector<16xi32>], vector<16xi32>,
        %and3A_123 = arith.constant 63 : i32
        %and3A_124 = vector.broadcast %and3A_123 : i32 to vector<16xi32>
        %and3A_125 = arith.andi %gather3A_119, %and3A_124 : vector<16xi32>
        %and3A_126 = arith.constant 63 : i32
        %and3A_127 = vector.broadcast %and3A_126 : i32 to vector<16xi32>
        %and3A_128 = arith.andi %gather3A_122, %and3A_127 : vector<16xi32>
        %mul3A_129 = arith.constant 64 : i32
        %mul3A_130 = vector.broadcast %mul3A_129 : i32 to vector<16xi32>
        %mul3A_131 = arith.muli %and3A_125, %mul3A_130 : vector<16xi32>
        %add3A_132 = arith.addi %mul3A_131, %and3A_128 : vector<16xi32>
        %mul3A_133 = arith.constant 64 : i32
        %mul3A_134 = vector.broadcast %mul3A_133 : i32 to vector<16xi32>
        %mul3A_135 = arith.muli %and3A_128, %mul3A_134 : vector<16xi32>
        %add3A_136 = arith.addi %mul3A_135, %and3A_125 : vector<16xi32>
        %select_n3A_137 = arith.select %lt3A_14, %add3A_132, %add3A_136 : vector<16xi32>
        %add3A_138 = arith.addi %mul3A_33, %select_n3A_137 : vector<16xi32>
        tpu.vector_store_idx %arg10[%add3A_138], %broadcast_in_dim3A_37 {add = true} : memref<65536xf32, #tpu.memory_space<vmem>>[vector<16xi32>], vector<16xf32>,
        %mul3A_139 = arith.constant 64 : i32
        %mul3A_140 = vector.broadcast %mul3A_139 : i32 to vector<16xi32>
        %mul3A_141 = arith.muli %iota3A, %mul3A_140 : vector<16xi32>
        %add3A_142 = arith.addi %mul3A_141, %and3A_128 : vector<16xi32>
        tpu.vector_store_idx %arg11[%add3A_142], %broadcast_in_dim3A_37 masked %broadcast_in_dim3A_38 {add = true} : memref<1024xf32, #tpu.memory_space<vmem>>[vector<16xi32>], vector<16xf32>, vector<16xi1>
        %mul3A_143 = arith.constant 8 : i32
        %mul3A_144 = arith.muli %scan3A_53, %mul3A_143 : i32
        %add3A_145 = arith.constant 3 : i32
        %add3A_146 = arith.addi %mul3A_144, %add3A_145 : i32
        %add3A_147 = vector.broadcast %add3A_146 : i32 to vector<16xi32>
        %add3A_148 = arith.addi %mul3A_36, %add3A_147 : vector<16xi32>
        %gather3A_149 = tpu.vector_load_idx %arg8[%add3A_148] : memref<8192xi32, #tpu.memory_space<vmem>>[vector<16xi32>], vector<16xi32>,
        %add3A_150 = vector.broadcast %add3A_146 : i32 to vector<16xi32>
        %add3A_151 = arith.addi %mul3A_36, %add3A_150 : vector<16xi32>
        %gather3A_152 = tpu.vector_load_idx %arg9[%add3A_151] : memref<8192xi32, #tpu.memory_space<vmem>>[vector<16xi32>], vector<16xi32>,
        %and3A_153 = arith.constant 63 : i32
        %and3A_154 = vector.broadcast %and3A_153 : i32 to vector<16xi32>
        %and3A_155 = arith.andi %gather3A_149, %and3A_154 : vector<16xi32>
        %and3A_156 = arith.constant 63 : i32
        %and3A_157 = vector.broadcast %and3A_156 : i32 to vector<16xi32>
        %and3A_158 = arith.andi %gather3A_152, %and3A_157 : vector<16xi32>
        %mul3A_159 = arith.constant 64 : i32
        %mul3A_160 = vector.broadcast %mul3A_159 : i32 to vector<16xi32>
        %mul3A_161 = arith.muli %and3A_155, %mul3A_160 : vector<16xi32>
        %add3A_162 = arith.addi %mul3A_161, %and3A_158 : vector<16xi32>
        %mul3A_163 = arith.constant 64 : i32
        %mul3A_164 = vector.broadcast %mul3A_163 : i32 to vector<16xi32>
        %mul3A_165 = arith.muli %and3A_158, %mul3A_164 : vector<16xi32>
        %add3A_166 = arith.addi %mul3A_165, %and3A_155 : vector<16xi32>
        %select_n3A_167 = arith.select %lt3A_14, %add3A_162, %add3A_166 : vector<16xi32>
        %add3A_168 = arith.addi %mul3A_33, %select_n3A_167 : vector<16xi32>
        tpu.vector_store_idx %arg10[%add3A_168], %broadcast_in_dim3A_37 {add = true} : memref<65536xf32, #tpu.memory_space<vmem>>[vector<16xi32>], vector<16xf32>,
        %mul3A_169 = arith.constant 64 : i32
        %mul3A_170 = vector.broadcast %mul3A_169 : i32 to vector<16xi32>
        %mul3A_171 = arith.muli %iota3A, %mul3A_170 : vector<16xi32>
        %add3A_172 = arith.addi %mul3A_171, %and3A_158 : vector<16xi32>
        tpu.vector_store_idx %arg11[%add3A_172], %broadcast_in_dim3A_37 masked %broadcast_in_dim3A_38 {add = true} : memref<1024xf32, #tpu.memory_space<vmem>>[vector<16xi32>], vector<16xf32>, vector<16xi1>
        %mul3A_173 = arith.constant 8 : i32
        %mul3A_174 = arith.muli %scan3A_53, %mul3A_173 : i32
        %add3A_175 = arith.constant 4 : i32
        %add3A_176 = arith.addi %mul3A_174, %add3A_175 : i32
        %add3A_177 = vector.broadcast %add3A_176 : i32 to vector<16xi32>
        %add3A_178 = arith.addi %mul3A_36, %add3A_177 : vector<16xi32>
        %gather3A_179 = tpu.vector_load_idx %arg8[%add3A_178] : memref<8192xi32, #tpu.memory_space<vmem>>[vector<16xi32>], vector<16xi32>,
        %add3A_180 = vector.broadcast %add3A_176 : i32 to vector<16xi32>
        %add3A_181 = arith.addi %mul3A_36, %add3A_180 : vector<16xi32>
        %gather3A_182 = tpu.vector_load_idx %arg9[%add3A_181] : memref<8192xi32, #tpu.memory_space<vmem>>[vector<16xi32>], vector<16xi32>,
        %and3A_183 = arith.constant 63 : i32
        %and3A_184 = vector.broadcast %and3A_183 : i32 to vector<16xi32>
        %and3A_185 = arith.andi %gather3A_179, %and3A_184 : vector<16xi32>
        %and3A_186 = arith.constant 63 : i32
        %and3A_187 = vector.broadcast %and3A_186 : i32 to vector<16xi32>
        %and3A_188 = arith.andi %gather3A_182, %and3A_187 : vector<16xi32>
        %mul3A_189 = arith.constant 64 : i32
        %mul3A_190 = vector.broadcast %mul3A_189 : i32 to vector<16xi32>
        %mul3A_191 = arith.muli %and3A_185, %mul3A_190 : vector<16xi32>
        %add3A_192 = arith.addi %mul3A_191, %and3A_188 : vector<16xi32>
        %mul3A_193 = arith.constant 64 : i32
        %mul3A_194 = vector.broadcast %mul3A_193 : i32 to vector<16xi32>
        %mul3A_195 = arith.muli %and3A_188, %mul3A_194 : vector<16xi32>
        %add3A_196 = arith.addi %mul3A_195, %and3A_185 : vector<16xi32>
        %select_n3A_197 = arith.select %lt3A_14, %add3A_192, %add3A_196 : vector<16xi32>
        %add3A_198 = arith.addi %mul3A_33, %select_n3A_197 : vector<16xi32>
        tpu.vector_store_idx %arg10[%add3A_198], %broadcast_in_dim3A_37 {add = true} : memref<65536xf32, #tpu.memory_space<vmem>>[vector<16xi32>], vector<16xf32>,
        %mul3A_199 = arith.constant 64 : i32
        %mul3A_200 = vector.broadcast %mul3A_199 : i32 to vector<16xi32>
        %mul3A_201 = arith.muli %iota3A, %mul3A_200 : vector<16xi32>
        %add3A_202 = arith.addi %mul3A_201, %and3A_188 : vector<16xi32>
        tpu.vector_store_idx %arg11[%add3A_202], %broadcast_in_dim3A_37 masked %broadcast_in_dim3A_38 {add = true} : memref<1024xf32, #tpu.memory_space<vmem>>[vector<16xi32>], vector<16xf32>, vector<16xi1>
        %mul3A_203 = arith.constant 8 : i32
        %mul3A_204 = arith.muli %scan3A_53, %mul3A_203 : i32
        %add3A_205 = arith.constant 5 : i32
        %add3A_206 = arith.addi %mul3A_204, %add3A_205 : i32
        %add3A_207 = vector.broadcast %add3A_206 : i32 to vector<16xi32>
        %add3A_208 = arith.addi %mul3A_36, %add3A_207 : vector<16xi32>
        %gather3A_209 = tpu.vector_load_idx %arg8[%add3A_208] : memref<8192xi32, #tpu.memory_space<vmem>>[vector<16xi32>], vector<16xi32>,
        %add3A_210 = vector.broadcast %add3A_206 : i32 to vector<16xi32>
        %add3A_211 = arith.addi %mul3A_36, %add3A_210 : vector<16xi32>
        %gather3A_212 = tpu.vector_load_idx %arg9[%add3A_211] : memref<8192xi32, #tpu.memory_space<vmem>>[vector<16xi32>], vector<16xi32>,
        %and3A_213 = arith.constant 63 : i32
        %and3A_214 = vector.broadcast %and3A_213 : i32 to vector<16xi32>
        %and3A_215 = arith.andi %gather3A_209, %and3A_214 : vector<16xi32>
        %and3A_216 = arith.constant 63 : i32
        %and3A_217 = vector.broadcast %and3A_216 : i32 to vector<16xi32>
        %and3A_218 = arith.andi %gather3A_212, %and3A_217 : vector<16xi32>
        %mul3A_219 = arith.constant 64 : i32
        %mul3A_220 = vector.broadcast %mul3A_219 : i32 to vector<16xi32>
        %mul3A_221 = arith.muli %and3A_215, %mul3A_220 : vector<16xi32>
        %add3A_222 = arith.addi %mul3A_221, %and3A_218 : vector<16xi32>
        %mul3A_223 = arith.constant 64 : i32
        %mul3A_224 = vector.broadcast %mul3A_223 : i32 to vector<16xi32>
        %mul3A_225 = arith.muli %and3A_218, %mul3A_224 : vector<16xi32>
        %add3A_226 = arith.addi %mul3A_225, %and3A_215 : vector<16xi32>
        %select_n3A_227 = arith.select %lt3A_14, %add3A_222, %add3A_226 : vector<16xi32>
        %add3A_228 = arith.addi %mul3A_33, %select_n3A_227 : vector<16xi32>
        tpu.vector_store_idx %arg10[%add3A_228], %broadcast_in_dim3A_37 {add = true} : memref<65536xf32, #tpu.memory_space<vmem>>[vector<16xi32>], vector<16xf32>,
        %mul3A_229 = arith.constant 64 : i32
        %mul3A_230 = vector.broadcast %mul3A_229 : i32 to vector<16xi32>
        %mul3A_231 = arith.muli %iota3A, %mul3A_230 : vector<16xi32>
        %add3A_232 = arith.addi %mul3A_231, %and3A_218 : vector<16xi32>
        tpu.vector_store_idx %arg11[%add3A_232], %broadcast_in_dim3A_37 masked %broadcast_in_dim3A_38 {add = true} : memref<1024xf32, #tpu.memory_space<vmem>>[vector<16xi32>], vector<16xf32>, vector<16xi1>
        %mul3A_233 = arith.constant 8 : i32
        %mul3A_234 = arith.muli %scan3A_53, %mul3A_233 : i32
        %add3A_235 = arith.constant 6 : i32
        %add3A_236 = arith.addi %mul3A_234, %add3A_235 : i32
        %add3A_237 = vector.broadcast %add3A_236 : i32 to vector<16xi32>
        %add3A_238 = arith.addi %mul3A_36, %add3A_237 : vector<16xi32>
        %gather3A_239 = tpu.vector_load_idx %arg8[%add3A_238] : memref<8192xi32, #tpu.memory_space<vmem>>[vector<16xi32>], vector<16xi32>,
        %add3A_240 = vector.broadcast %add3A_236 : i32 to vector<16xi32>
        %add3A_241 = arith.addi %mul3A_36, %add3A_240 : vector<16xi32>
        %gather3A_242 = tpu.vector_load_idx %arg9[%add3A_241] : memref<8192xi32, #tpu.memory_space<vmem>>[vector<16xi32>], vector<16xi32>,
        %and3A_243 = arith.constant 63 : i32
        %and3A_244 = vector.broadcast %and3A_243 : i32 to vector<16xi32>
        %and3A_245 = arith.andi %gather3A_239, %and3A_244 : vector<16xi32>
        %and3A_246 = arith.constant 63 : i32
        %and3A_247 = vector.broadcast %and3A_246 : i32 to vector<16xi32>
        %and3A_248 = arith.andi %gather3A_242, %and3A_247 : vector<16xi32>
        %mul3A_249 = arith.constant 64 : i32
        %mul3A_250 = vector.broadcast %mul3A_249 : i32 to vector<16xi32>
        %mul3A_251 = arith.muli %and3A_245, %mul3A_250 : vector<16xi32>
        %add3A_252 = arith.addi %mul3A_251, %and3A_248 : vector<16xi32>
        %mul3A_253 = arith.constant 64 : i32
        %mul3A_254 = vector.broadcast %mul3A_253 : i32 to vector<16xi32>
        %mul3A_255 = arith.muli %and3A_248, %mul3A_254 : vector<16xi32>
        %add3A_256 = arith.addi %mul3A_255, %and3A_245 : vector<16xi32>
        %select_n3A_257 = arith.select %lt3A_14, %add3A_252, %add3A_256 : vector<16xi32>
        %add3A_258 = arith.addi %mul3A_33, %select_n3A_257 : vector<16xi32>
        tpu.vector_store_idx %arg10[%add3A_258], %broadcast_in_dim3A_37 {add = true} : memref<65536xf32, #tpu.memory_space<vmem>>[vector<16xi32>], vector<16xf32>,
        %mul3A_259 = arith.constant 64 : i32
        %mul3A_260 = vector.broadcast %mul3A_259 : i32 to vector<16xi32>
        %mul3A_261 = arith.muli %iota3A, %mul3A_260 : vector<16xi32>
        %add3A_262 = arith.addi %mul3A_261, %and3A_248 : vector<16xi32>
        tpu.vector_store_idx %arg11[%add3A_262], %broadcast_in_dim3A_37 masked %broadcast_in_dim3A_38 {add = true} : memref<1024xf32, #tpu.memory_space<vmem>>[vector<16xi32>], vector<16xf32>, vector<16xi1>
        %mul3A_263 = arith.constant 8 : i32
        %mul3A_264 = arith.muli %scan3A_53, %mul3A_263 : i32
        %add3A_265 = arith.constant 7 : i32
        %add3A_266 = arith.addi %mul3A_264, %add3A_265 : i32
        %add3A_267 = vector.broadcast %add3A_266 : i32 to vector<16xi32>
        %add3A_268 = arith.addi %mul3A_36, %add3A_267 : vector<16xi32>
        %gather3A_269 = tpu.vector_load_idx %arg8[%add3A_268] : memref<8192xi32, #tpu.memory_space<vmem>>[vector<16xi32>], vector<16xi32>,
        %add3A_270 = vector.broadcast %add3A_266 : i32 to vector<16xi32>
        %add3A_271 = arith.addi %mul3A_36, %add3A_270 : vector<16xi32>
        %gather3A_272 = tpu.vector_load_idx %arg9[%add3A_271] : memref<8192xi32, #tpu.memory_space<vmem>>[vector<16xi32>], vector<16xi32>,
        %and3A_273 = arith.constant 63 : i32
        %and3A_274 = vector.broadcast %and3A_273 : i32 to vector<16xi32>
        %and3A_275 = arith.andi %gather3A_269, %and3A_274 : vector<16xi32>
        %and3A_276 = arith.constant 63 : i32
        %and3A_277 = vector.broadcast %and3A_276 : i32 to vector<16xi32>
        %and3A_278 = arith.andi %gather3A_272, %and3A_277 : vector<16xi32>
        %mul3A_279 = arith.constant 64 : i32
        %mul3A_280 = vector.broadcast %mul3A_279 : i32 to vector<16xi32>
        %mul3A_281 = arith.muli %and3A_275, %mul3A_280 : vector<16xi32>
        %add3A_282 = arith.addi %mul3A_281, %and3A_278 : vector<16xi32>
        %mul3A_283 = arith.constant 64 : i32
        %mul3A_284 = vector.broadcast %mul3A_283 : i32 to vector<16xi32>
        %mul3A_285 = arith.muli %and3A_278, %mul3A_284 : vector<16xi32>
        %add3A_286 = arith.addi %mul3A_285, %and3A_275 : vector<16xi32>
        %select_n3A_287 = arith.select %lt3A_14, %add3A_282, %add3A_286 : vector<16xi32>
        %add3A_288 = arith.addi %mul3A_33, %select_n3A_287 : vector<16xi32>
        tpu.vector_store_idx %arg10[%add3A_288], %broadcast_in_dim3A_37 {add = true} : memref<65536xf32, #tpu.memory_space<vmem>>[vector<16xi32>], vector<16xf32>,
        %mul3A_289 = arith.constant 64 : i32
        %mul3A_290 = vector.broadcast %mul3A_289 : i32 to vector<16xi32>
        %mul3A_291 = arith.muli %iota3A, %mul3A_290 : vector<16xi32>
        %add3A_292 = arith.addi %mul3A_291, %and3A_278 : vector<16xi32>
        tpu.vector_store_idx %arg11[%add3A_292], %broadcast_in_dim3A_37 masked %broadcast_in_dim3A_38 {add = true} : memref<1024xf32, #tpu.memory_space<vmem>>[vector<16xi32>], vector<16xf32>, vector<16xi1>
      }
      %scan3A_43 = arith.constant 64 : i32
      %mul3A_44 = arith.constant 65536 : i32
      %mul3A_45 = arith.muli %select_n3A_12, %mul3A_44 : i32
      %convert_element_type3A_46 = arith.extui %lt3A_14 : i1 to i32
      %cond3A_47 = arith.constant 0 : i32
      %cond3A_48 = arith.cmpi ne, %convert_element_type3A_46, %cond3A_47 : i32
      scf.if %cond3A_48 {
        "tpu.region"() ({
          %run_scoped3A = tpu.sem_alloc : memref<!tpu.dma_semaphore, #tpu.memory_space<semaphore_mem>>
          %dma_start3A_57 = tpu.memref_slice %arg5[%mul3A_45] : memref<524288xf32, #tpu.memory_space<hbm>> -> memref<65536xf32, #tpu.memory_space<hbm>>
          %dma_start3A_58 = tpu.memref_slice %arg5[%mul3A_45] : memref<524288xf32, #tpu.memory_space<hbm>> -> memref<65536xf32, #tpu.memory_space<hbm>>
          tpu.enqueue_dma source(%arg10 : memref<65536xf32, #tpu.memory_space<vmem>>) target(%dma_start3A_58 : memref<65536xf32, #tpu.memory_space<hbm>>) target_semaphore(%run_scoped3A : memref<!tpu.dma_semaphore, #tpu.memory_space<semaphore_mem>>)
          %dma_wait3A_59 = tpu.memref_slice %arg5[%mul3A_45] : memref<524288xf32, #tpu.memory_space<hbm>> -> memref<65536xf32, #tpu.memory_space<hbm>>
          %dma_wait3A_60 = tpu.memref_slice %arg5[%mul3A_45] : memref<524288xf32, #tpu.memory_space<hbm>> -> memref<65536xf32, #tpu.memory_space<hbm>>
          tpu.wait_dma2 semaphore(%run_scoped3A : memref<!tpu.dma_semaphore, #tpu.memory_space<semaphore_mem>>) src(%arg10 : memref<65536xf32, #tpu.memory_space<vmem>>) dst(%dma_wait3A_60 : memref<65536xf32, #tpu.memory_space<hbm>>)
          tpu.yield
        }) : () -> ()
        %mul3A_53 = arith.constant 16 : i32
        %mul3A_54 = arith.muli %select_n3A_12, %mul3A_53 : i32
        %mul3A_55 = arith.constant 64 : i32
        %mul3A_56 = arith.muli %mul3A_54, %mul3A_55 : i32
        "tpu.region"() ({
          %run_scoped3A = tpu.sem_alloc : memref<!tpu.dma_semaphore, #tpu.memory_space<semaphore_mem>>
          %dma_start3A_57 = tpu.memref_slice %arg7[%mul3A_56] : memref<8192xf32, #tpu.memory_space<hbm>> -> memref<1024xf32, #tpu.memory_space<hbm>>
          %dma_start3A_58 = tpu.memref_slice %arg7[%mul3A_56] : memref<8192xf32, #tpu.memory_space<hbm>> -> memref<1024xf32, #tpu.memory_space<hbm>>
          tpu.enqueue_dma source(%arg11 : memref<1024xf32, #tpu.memory_space<vmem>>) target(%dma_start3A_58 : memref<1024xf32, #tpu.memory_space<hbm>>) target_semaphore(%run_scoped3A : memref<!tpu.dma_semaphore, #tpu.memory_space<semaphore_mem>>)
          %dma_wait3A_59 = tpu.memref_slice %arg7[%mul3A_56] : memref<8192xf32, #tpu.memory_space<hbm>> -> memref<1024xf32, #tpu.memory_space<hbm>>
          %dma_wait3A_60 = tpu.memref_slice %arg7[%mul3A_56] : memref<8192xf32, #tpu.memory_space<hbm>> -> memref<1024xf32, #tpu.memory_space<hbm>>
          tpu.wait_dma2 semaphore(%run_scoped3A : memref<!tpu.dma_semaphore, #tpu.memory_space<semaphore_mem>>) src(%arg11 : memref<1024xf32, #tpu.memory_space<vmem>>) dst(%dma_wait3A_60 : memref<1024xf32, #tpu.memory_space<hbm>>)
          tpu.yield
        }) : () -> ()
      } else {
      }
      %not3A = arith.constant true
      %not3A_49 = arith.xori %lt3A_14, %not3A : i1
      %convert_element_type3A_50 = arith.extui %not3A_49 : i1 to i32
      %cond3A_51 = arith.constant 0 : i32
      %cond3A_52 = arith.cmpi ne, %convert_element_type3A_50, %cond3A_51 : i32
      scf.if %cond3A_52 {
        "tpu.region"() ({
          %run_scoped3A = tpu.sem_alloc : memref<!tpu.dma_semaphore, #tpu.memory_space<semaphore_mem>>
          %dma_start3A_53 = tpu.memref_slice %arg6[%mul3A_45] : memref<524288xf32, #tpu.memory_space<hbm>> -> memref<65536xf32, #tpu.memory_space<hbm>>
          %dma_start3A_54 = tpu.memref_slice %arg6[%mul3A_45] : memref<524288xf32, #tpu.memory_space<hbm>> -> memref<65536xf32, #tpu.memory_space<hbm>>
          tpu.enqueue_dma source(%arg10 : memref<65536xf32, #tpu.memory_space<vmem>>) target(%dma_start3A_54 : memref<65536xf32, #tpu.memory_space<hbm>>) target_semaphore(%run_scoped3A : memref<!tpu.dma_semaphore, #tpu.memory_space<semaphore_mem>>)
          %dma_wait3A_55 = tpu.memref_slice %arg6[%mul3A_45] : memref<524288xf32, #tpu.memory_space<hbm>> -> memref<65536xf32, #tpu.memory_space<hbm>>
          %dma_wait3A_56 = tpu.memref_slice %arg6[%mul3A_45] : memref<524288xf32, #tpu.memory_space<hbm>> -> memref<65536xf32, #tpu.memory_space<hbm>>
          tpu.wait_dma2 semaphore(%run_scoped3A : memref<!tpu.dma_semaphore, #tpu.memory_space<semaphore_mem>>) src(%arg10 : memref<65536xf32, #tpu.memory_space<vmem>>) dst(%dma_wait3A_56 : memref<65536xf32, #tpu.memory_space<hbm>>)
          tpu.yield
        }) : () -> ()
      } else {
      }
    } else {
    }
    return
  }
}

module attributes {stable_mosaic.version = 14 : i64} {
  func.func @_dense_body(%arg0: memref<8192x128xf32, #tpu.memory_space<vmem>>, %arg1: memref<128x64x64xf32, #tpu.memory_space<vmem>>, %arg2: memref<8192x1xf32, #tpu.memory_space<vmem>>, %arg3: memref<128x32xf32, #tpu.memory_space<vmem>>, %arg4: memref<128x64xf32, #tpu.memory_space<vmem>>, %arg5: memref<1x64xf32, #tpu.memory_space<vmem>>, %arg6: memref<1x64xf32, #tpu.memory_space<vmem>>, %arg7: memref<1x64xf32, #tpu.memory_space<vmem>>, %arg8: memref<64x64xf32, #tpu.memory_space<vmem>>, %arg9: memref<1x64xf32, #tpu.memory_space<vmem>>, %arg10: memref<1x64xf32, #tpu.memory_space<vmem>>, %arg11: memref<1x64xf32, #tpu.memory_space<vmem>>, %arg12: memref<64x64xf32, #tpu.memory_space<vmem>>, %arg13: memref<1x64xf32, #tpu.memory_space<vmem>>, %arg14: memref<1x64xf32, #tpu.memory_space<vmem>>, %arg15: memref<1x64xf32, #tpu.memory_space<vmem>>, %arg16: memref<64x32xf32, #tpu.memory_space<vmem>>, %arg17: memref<1x32xf32, #tpu.memory_space<vmem>>, %arg18: memref<64x32xf32, #tpu.memory_space<vmem>>, %arg19: memref<1x32xf32, #tpu.memory_space<vmem>>, %arg20: memref<32x64xf32, #tpu.memory_space<vmem>>, %arg21: memref<1x64xf32, #tpu.memory_space<vmem>>, %arg22: memref<64x64xf32, #tpu.memory_space<vmem>>, %arg23: memref<1x64xf32, #tpu.memory_space<vmem>>, %arg24: memref<128x64xf32, #tpu.memory_space<vmem>>, %arg25: memref<1x64xf32, #tpu.memory_space<vmem>>, %arg26: memref<64x64xf32, #tpu.memory_space<vmem>>, %arg27: memref<64x64xf32, #tpu.memory_space<vmem>>, %arg28: memref<1x64xf32, #tpu.memory_space<vmem>>, %arg29: memref<1x64xf32, #tpu.memory_space<vmem>>, %arg30: memref<1x1xf32, #tpu.memory_space<smem>>, %arg31: memref<128x64x64xf32, #tpu.memory_space<vmem>>, %arg32: memref<128x32xf32, #tpu.memory_space<vmem>>, %arg33: memref<128x32xf32, #tpu.memory_space<vmem>>, %arg34: memref<128x64x64xf32, #tpu.memory_space<vmem>>, %arg35: memref<128x64x64xf32, #tpu.memory_space<vmem>>) attributes {dimension_semantics = [], scalar_prefetch = 0 : i64, scratch_operands = 2 : i64, tpu.core_type = #tpu.core_type<tc>} {
    %get3A = arith.constant 0 : index
    %get3A_0 = arith.constant 0 : index
    %get3A_1 = vector.load %arg0[%get3A, %get3A_0] : memref<8192x128xf32, #tpu.memory_space<vmem>>, vector<8192x128xf32>
    %get3A_2 = arith.constant 0 : index
    %get3A_3 = arith.constant 0 : index
    %get3A_4 = vector.load %arg2[%get3A_2, %get3A_3] : memref<8192x1xf32, #tpu.memory_space<vmem>>, vector<8192x1xf32>
    %add3A = arith.constant 1.000000e+00 : f32
    %add3A_5 = vector.broadcast %add3A : f32 to vector<8192x1xf32>
    %add3A_6 = arith.addf %get3A_4, %add3A_5 : vector<8192x1xf32>
    %rsqrt3A = math.rsqrt %add3A_6 : vector<8192x1xf32>
    %iota3A = tpu.iota {dimensions = array<i32: 0>} : vector<64x64xi32>
    %iota3A_7 = tpu.iota {dimensions = array<i32: 1>} : vector<64x64xi32>
    %eq3A = arith.cmpi eq, %iota3A, %iota3A_7 : vector<64x64xi32>
    %jit3A = arith.constant 1.000000e+00 : f32
    %jit3A_8 = arith.constant 0.000000e+00 : f32
    %broadcast_in_dim3A = vector.broadcast %jit3A : f32 to vector<64x64xf32>
    %broadcast_in_dim3A_9 = vector.broadcast %jit3A_8 : f32 to vector<64x64xf32>
    %select_n3A = arith.select %eq3A, %broadcast_in_dim3A, %broadcast_in_dim3A_9 : vector<64x64xi1>, vector<64x64xf32>
    %get3A_10 = arith.constant 0 : index
    %get3A_11 = arith.constant 0 : index
    %get3A_12 = arith.constant 0 : index
    %get3A_13 = vector.load %arg1[%get3A_10, %get3A_11, %get3A_12] : memref<128x64x64xf32, #tpu.memory_space<vmem>>, vector<128x64x64xf32>
    %broadcast_in_dim3A_14 = vector.shape_cast %select_n3A : vector<64x64xf32> to vector<1x64x64xf32>
    %add3A_15 = vector.broadcast %broadcast_in_dim3A_14 : vector<1x64x64xf32> to vector<128x64x64xf32>
    %add3A_16 = arith.addf %get3A_13, %add3A_15 : vector<128x64x64xf32>
    %get3A_17 = arith.constant 0 : index
    %get3A_18 = arith.constant 0 : index
    %get3A_19 = vector.load %arg4[%get3A_17, %get3A_18] : memref<128x64xf32, #tpu.memory_space<vmem>>, vector<128x64xf32>
    %dot_general3A = arith.constant dense<0.000000e+00> : vector<8192x64xf32>
    %dot_general3A_20 = tpu.matmul %get3A_1, %get3A_19, %dot_general3A {dimension_numbers = #tpu.dot_dimension_numbers<[1], [0], [0], [1], [0, 0, 1, 1], [], []>, transpose_lhs_hint = false} : vector<8192x128xf32>, vector<128x64xf32>, vector<8192x64xf32> -> vector<8192x64xf32>
    %mul3A = vector.broadcast %rsqrt3A : vector<8192x1xf32> to vector<8192x64xf32>
    %mul3A_21 = arith.mulf %dot_general3A_20, %mul3A : vector<8192x64xf32>
    %reshape3A = vector.shape_cast %mul3A_21 : vector<8192x64xf32> to vector<128x64x64xf32>
    %dot_general3A_22 = arith.constant dense<0.000000e+00> : vector<128x64x64xf32>
    %dot_general3A_23 = tpu.matmul %add3A_16, %reshape3A, %dot_general3A_22 {dimension_numbers = #tpu.dot_dimension_numbers<[2], [1], [1], [2], [0, 0, 0, 1, 1, 2], [0], [0]>, transpose_lhs_hint = false} : vector<128x64x64xf32>, vector<128x64x64xf32>, vector<128x64x64xf32> -> vector<128x64x64xf32>
    %reshape3A_24 = vector.shape_cast %dot_general3A_23 : vector<128x64x64xf32> to vector<8192x64xf32>
    %mul3A_25 = vector.broadcast %rsqrt3A : vector<8192x1xf32> to vector<8192x64xf32>
    %mul3A_26 = arith.mulf %reshape3A_24, %mul3A_25 : vector<8192x64xf32>
    %get3A_27 = arith.constant 0 : index
    %get3A_28 = arith.constant 0 : index
    %get3A_29 = vector.load %arg5[%get3A_27, %get3A_28] : memref<1x64xf32, #tpu.memory_space<vmem>>, vector<1x64xf32>
    %add3A_30 = vector.broadcast %get3A_29 : vector<1x64xf32> to vector<8192x64xf32>
    %add3A_31 = arith.addf %mul3A_26, %add3A_30 : vector<8192x64xf32>
    %reduce_sum3A = arith.constant dense<0.000000e+00> : vector<64xf32>
    %reduce_sum3A_32 = vector.multi_reduction <add>, %add3A_31, %reduce_sum3A [0] : vector<8192x64xf32> to vector<64xf32>
    %broadcast_in_dim3A_33 = vector.shape_cast %reduce_sum3A_32 : vector<64xf32> to vector<1x64xf32>
    %div3A = arith.constant 8.192000e+03 : f32
    %div3A_34 = vector.broadcast %div3A : f32 to vector<1x64xf32>
    %div3A_35 = arith.divf %broadcast_in_dim3A_33, %div3A_34 : vector<1x64xf32>
    %mul3A_36 = arith.mulf %add3A_31, %add3A_31 : vector<8192x64xf32>
    %reduce_sum3A_37 = arith.constant dense<0.000000e+00> : vector<64xf32>
    %reduce_sum3A_38 = vector.multi_reduction <add>, %mul3A_36, %reduce_sum3A_37 [0] : vector<8192x64xf32> to vector<64xf32>
    %broadcast_in_dim3A_39 = vector.shape_cast %reduce_sum3A_38 : vector<64xf32> to vector<1x64xf32>
    %div3A_40 = arith.constant 8.192000e+03 : f32
    %div3A_41 = vector.broadcast %div3A_40 : f32 to vector<1x64xf32>
    %div3A_42 = arith.divf %broadcast_in_dim3A_39, %div3A_41 : vector<1x64xf32>
    %mul3A_43 = arith.mulf %div3A_35, %div3A_35 : vector<1x64xf32>
    %sub3A = arith.subf %div3A_42, %mul3A_43 : vector<1x64xf32>
    %sub3A_44 = vector.broadcast %div3A_35 : vector<1x64xf32> to vector<8192x64xf32>
    %sub3A_45 = arith.subf %add3A_31, %sub3A_44 : vector<8192x64xf32>
    %add3A_46 = arith.constant 9.99999974E-6 : f32
    %add3A_47 = vector.broadcast %add3A_46 : f32 to vector<1x64xf32>
    %add3A_48 = arith.addf %sub3A, %add3A_47 : vector<1x64xf32>
    %rsqrt3A_49 = math.rsqrt %add3A_48 : vector<1x64xf32>
    %mul3A_50 = vector.broadcast %rsqrt3A_49 : vector<1x64xf32> to vector<8192x64xf32>
    %mul3A_51 = arith.mulf %sub3A_45, %mul3A_50 : vector<8192x64xf32>
    %get3A_52 = arith.constant 0 : index
    %get3A_53 = arith.constant 0 : index
    %get3A_54 = vector.load %arg6[%get3A_52, %get3A_53] : memref<1x64xf32, #tpu.memory_space<vmem>>, vector<1x64xf32>
    %mul3A_55 = vector.broadcast %get3A_54 : vector<1x64xf32> to vector<8192x64xf32>
    %mul3A_56 = arith.mulf %mul3A_51, %mul3A_55 : vector<8192x64xf32>
    %get3A_57 = arith.constant 0 : index
    %get3A_58 = arith.constant 0 : index
    %get3A_59 = vector.load %arg7[%get3A_57, %get3A_58] : memref<1x64xf32, #tpu.memory_space<vmem>>, vector<1x64xf32>
    %add3A_60 = vector.broadcast %get3A_59 : vector<1x64xf32> to vector<8192x64xf32>
    %add3A_61 = arith.addf %mul3A_56, %add3A_60 : vector<8192x64xf32>
    %mul3A_62 = arith.constant 2.000000e-01 : f32
    %mul3A_63 = vector.broadcast %mul3A_62 : f32 to vector<8192x64xf32>
    %mul3A_64 = arith.mulf %mul3A_63, %add3A_61 : vector<8192x64xf32>
    %max3A = arith.maximumf %add3A_61, %mul3A_64 : vector<8192x64xf32>
    %get3A_65 = arith.constant 0 : index
    %get3A_66 = arith.constant 0 : index
    %get3A_67 = vector.load %arg8[%get3A_65, %get3A_66] : memref<64x64xf32, #tpu.memory_space<vmem>>, vector<64x64xf32>
    %dot_general3A_68 = arith.constant dense<0.000000e+00> : vector<8192x64xf32>
    %dot_general3A_69 = tpu.matmul %max3A, %get3A_67, %dot_general3A_68 {dimension_numbers = #tpu.dot_dimension_numbers<[1], [0], [0], [1], [0, 0, 1, 1], [], []>, transpose_lhs_hint = false} : vector<8192x64xf32>, vector<64x64xf32>, vector<8192x64xf32> -> vector<8192x64xf32>
    %mul3A_70 = vector.broadcast %rsqrt3A : vector<8192x1xf32> to vector<8192x64xf32>
    %mul3A_71 = arith.mulf %dot_general3A_69, %mul3A_70 : vector<8192x64xf32>
    %reshape3A_72 = vector.shape_cast %mul3A_71 : vector<8192x64xf32> to vector<128x64x64xf32>
    %dot_general3A_73 = arith.constant dense<0.000000e+00> : vector<128x64x64xf32>
    %dot_general3A_74 = tpu.matmul %add3A_16, %reshape3A_72, %dot_general3A_73 {dimension_numbers = #tpu.dot_dimension_numbers<[2], [1], [1], [2], [0, 0, 0, 1, 1, 2], [0], [0]>, transpose_lhs_hint = false} : vector<128x64x64xf32>, vector<128x64x64xf32>, vector<128x64x64xf32> -> vector<128x64x64xf32>
    %reshape3A_75 = vector.shape_cast %dot_general3A_74 : vector<128x64x64xf32> to vector<8192x64xf32>
    %mul3A_76 = vector.broadcast %rsqrt3A : vector<8192x1xf32> to vector<8192x64xf32>
    %mul3A_77 = arith.mulf %reshape3A_75, %mul3A_76 : vector<8192x64xf32>
    %get3A_78 = arith.constant 0 : index
    %get3A_79 = arith.constant 0 : index
    %get3A_80 = vector.load %arg9[%get3A_78, %get3A_79] : memref<1x64xf32, #tpu.memory_space<vmem>>, vector<1x64xf32>
    %add3A_81 = vector.broadcast %get3A_80 : vector<1x64xf32> to vector<8192x64xf32>
    %add3A_82 = arith.addf %mul3A_77, %add3A_81 : vector<8192x64xf32>
    %reduce_sum3A_83 = arith.constant dense<0.000000e+00> : vector<64xf32>
    %reduce_sum3A_84 = vector.multi_reduction <add>, %add3A_82, %reduce_sum3A_83 [0] : vector<8192x64xf32> to vector<64xf32>
    %broadcast_in_dim3A_85 = vector.shape_cast %reduce_sum3A_84 : vector<64xf32> to vector<1x64xf32>
    %div3A_86 = arith.constant 8.192000e+03 : f32
    %div3A_87 = vector.broadcast %div3A_86 : f32 to vector<1x64xf32>
    %div3A_88 = arith.divf %broadcast_in_dim3A_85, %div3A_87 : vector<1x64xf32>
    %mul3A_89 = arith.mulf %add3A_82, %add3A_82 : vector<8192x64xf32>
    %reduce_sum3A_90 = arith.constant dense<0.000000e+00> : vector<64xf32>
    %reduce_sum3A_91 = vector.multi_reduction <add>, %mul3A_89, %reduce_sum3A_90 [0] : vector<8192x64xf32> to vector<64xf32>
    %broadcast_in_dim3A_92 = vector.shape_cast %reduce_sum3A_91 : vector<64xf32> to vector<1x64xf32>
    %div3A_93 = arith.constant 8.192000e+03 : f32
    %div3A_94 = vector.broadcast %div3A_93 : f32 to vector<1x64xf32>
    %div3A_95 = arith.divf %broadcast_in_dim3A_92, %div3A_94 : vector<1x64xf32>
    %mul3A_96 = arith.mulf %div3A_88, %div3A_88 : vector<1x64xf32>
    %sub3A_97 = arith.subf %div3A_95, %mul3A_96 : vector<1x64xf32>
    %sub3A_98 = vector.broadcast %div3A_88 : vector<1x64xf32> to vector<8192x64xf32>
    %sub3A_99 = arith.subf %add3A_82, %sub3A_98 : vector<8192x64xf32>
    %add3A_100 = arith.constant 9.99999974E-6 : f32
    %add3A_101 = vector.broadcast %add3A_100 : f32 to vector<1x64xf32>
    %add3A_102 = arith.addf %sub3A_97, %add3A_101 : vector<1x64xf32>
    %rsqrt3A_103 = math.rsqrt %add3A_102 : vector<1x64xf32>
    %mul3A_104 = vector.broadcast %rsqrt3A_103 : vector<1x64xf32> to vector<8192x64xf32>
    %mul3A_105 = arith.mulf %sub3A_99, %mul3A_104 : vector<8192x64xf32>
    %get3A_106 = arith.constant 0 : index
    %get3A_107 = arith.constant 0 : index
    %get3A_108 = vector.load %arg10[%get3A_106, %get3A_107] : memref<1x64xf32, #tpu.memory_space<vmem>>, vector<1x64xf32>
    %mul3A_109 = vector.broadcast %get3A_108 : vector<1x64xf32> to vector<8192x64xf32>
    %mul3A_110 = arith.mulf %mul3A_105, %mul3A_109 : vector<8192x64xf32>
    %get3A_111 = arith.constant 0 : index
    %get3A_112 = arith.constant 0 : index
    %get3A_113 = vector.load %arg11[%get3A_111, %get3A_112] : memref<1x64xf32, #tpu.memory_space<vmem>>, vector<1x64xf32>
    %add3A_114 = vector.broadcast %get3A_113 : vector<1x64xf32> to vector<8192x64xf32>
    %add3A_115 = arith.addf %mul3A_110, %add3A_114 : vector<8192x64xf32>
    %mul3A_116 = arith.constant 2.000000e-01 : f32
    %mul3A_117 = vector.broadcast %mul3A_116 : f32 to vector<8192x64xf32>
    %mul3A_118 = arith.mulf %mul3A_117, %add3A_115 : vector<8192x64xf32>
    %max3A_119 = arith.maximumf %add3A_115, %mul3A_118 : vector<8192x64xf32>
    %get3A_120 = arith.constant 0 : index
    %get3A_121 = arith.constant 0 : index
    %get3A_122 = vector.load %arg12[%get3A_120, %get3A_121] : memref<64x64xf32, #tpu.memory_space<vmem>>, vector<64x64xf32>
    %dot_general3A_123 = arith.constant dense<0.000000e+00> : vector<8192x64xf32>
    %dot_general3A_124 = tpu.matmul %max3A_119, %get3A_122, %dot_general3A_123 {dimension_numbers = #tpu.dot_dimension_numbers<[1], [0], [0], [1], [0, 0, 1, 1], [], []>, transpose_lhs_hint = false} : vector<8192x64xf32>, vector<64x64xf32>, vector<8192x64xf32> -> vector<8192x64xf32>
    %mul3A_125 = vector.broadcast %rsqrt3A : vector<8192x1xf32> to vector<8192x64xf32>
    %mul3A_126 = arith.mulf %dot_general3A_124, %mul3A_125 : vector<8192x64xf32>
    %reshape3A_127 = vector.shape_cast %mul3A_126 : vector<8192x64xf32> to vector<128x64x64xf32>
    %dot_general3A_128 = arith.constant dense<0.000000e+00> : vector<128x64x64xf32>
    %dot_general3A_129 = tpu.matmul %add3A_16, %reshape3A_127, %dot_general3A_128 {dimension_numbers = #tpu.dot_dimension_numbers<[2], [1], [1], [2], [0, 0, 0, 1, 1, 2], [0], [0]>, transpose_lhs_hint = false} : vector<128x64x64xf32>, vector<128x64x64xf32>, vector<128x64x64xf32> -> vector<128x64x64xf32>
    %reshape3A_130 = vector.shape_cast %dot_general3A_129 : vector<128x64x64xf32> to vector<8192x64xf32>
    %mul3A_131 = vector.broadcast %rsqrt3A : vector<8192x1xf32> to vector<8192x64xf32>
    %mul3A_132 = arith.mulf %reshape3A_130, %mul3A_131 : vector<8192x64xf32>
    %get3A_133 = arith.constant 0 : index
    %get3A_134 = arith.constant 0 : index
    %get3A_135 = vector.load %arg13[%get3A_133, %get3A_134] : memref<1x64xf32, #tpu.memory_space<vmem>>, vector<1x64xf32>
    %add3A_136 = vector.broadcast %get3A_135 : vector<1x64xf32> to vector<8192x64xf32>
    %add3A_137 = arith.addf %mul3A_132, %add3A_136 : vector<8192x64xf32>
    %reduce_sum3A_138 = arith.constant dense<0.000000e+00> : vector<64xf32>
    %reduce_sum3A_139 = vector.multi_reduction <add>, %add3A_137, %reduce_sum3A_138 [0] : vector<8192x64xf32> to vector<64xf32>
    %broadcast_in_dim3A_140 = vector.shape_cast %reduce_sum3A_139 : vector<64xf32> to vector<1x64xf32>
    %div3A_141 = arith.constant 8.192000e+03 : f32
    %div3A_142 = vector.broadcast %div3A_141 : f32 to vector<1x64xf32>
    %div3A_143 = arith.divf %broadcast_in_dim3A_140, %div3A_142 : vector<1x64xf32>
    %mul3A_144 = arith.mulf %add3A_137, %add3A_137 : vector<8192x64xf32>
    %reduce_sum3A_145 = arith.constant dense<0.000000e+00> : vector<64xf32>
    %reduce_sum3A_146 = vector.multi_reduction <add>, %mul3A_144, %reduce_sum3A_145 [0] : vector<8192x64xf32> to vector<64xf32>
    %broadcast_in_dim3A_147 = vector.shape_cast %reduce_sum3A_146 : vector<64xf32> to vector<1x64xf32>
    %div3A_148 = arith.constant 8.192000e+03 : f32
    %div3A_149 = vector.broadcast %div3A_148 : f32 to vector<1x64xf32>
    %div3A_150 = arith.divf %broadcast_in_dim3A_147, %div3A_149 : vector<1x64xf32>
    %mul3A_151 = arith.mulf %div3A_143, %div3A_143 : vector<1x64xf32>
    %sub3A_152 = arith.subf %div3A_150, %mul3A_151 : vector<1x64xf32>
    %sub3A_153 = vector.broadcast %div3A_143 : vector<1x64xf32> to vector<8192x64xf32>
    %sub3A_154 = arith.subf %add3A_137, %sub3A_153 : vector<8192x64xf32>
    %add3A_155 = arith.constant 9.99999974E-6 : f32
    %add3A_156 = vector.broadcast %add3A_155 : f32 to vector<1x64xf32>
    %add3A_157 = arith.addf %sub3A_152, %add3A_156 : vector<1x64xf32>
    %rsqrt3A_158 = math.rsqrt %add3A_157 : vector<1x64xf32>
    %mul3A_159 = vector.broadcast %rsqrt3A_158 : vector<1x64xf32> to vector<8192x64xf32>
    %mul3A_160 = arith.mulf %sub3A_154, %mul3A_159 : vector<8192x64xf32>
    %get3A_161 = arith.constant 0 : index
    %get3A_162 = arith.constant 0 : index
    %get3A_163 = vector.load %arg14[%get3A_161, %get3A_162] : memref<1x64xf32, #tpu.memory_space<vmem>>, vector<1x64xf32>
    %mul3A_164 = vector.broadcast %get3A_163 : vector<1x64xf32> to vector<8192x64xf32>
    %mul3A_165 = arith.mulf %mul3A_160, %mul3A_164 : vector<8192x64xf32>
    %get3A_166 = arith.constant 0 : index
    %get3A_167 = arith.constant 0 : index
    %get3A_168 = vector.load %arg15[%get3A_166, %get3A_167] : memref<1x64xf32, #tpu.memory_space<vmem>>, vector<1x64xf32>
    %add3A_169 = vector.broadcast %get3A_168 : vector<1x64xf32> to vector<8192x64xf32>
    %add3A_170 = arith.addf %mul3A_165, %add3A_169 : vector<8192x64xf32>
    %mul3A_171 = arith.constant 2.000000e-01 : f32
    %mul3A_172 = vector.broadcast %mul3A_171 : f32 to vector<8192x64xf32>
    %mul3A_173 = arith.mulf %mul3A_172, %add3A_170 : vector<8192x64xf32>
    %max3A_174 = arith.maximumf %add3A_170, %mul3A_173 : vector<8192x64xf32>
    %reshape3A_175 = vector.shape_cast %max3A_174 : vector<8192x64xf32> to vector<128x64x64xf32>
    %reduce_sum3A_176 = arith.constant dense<0.000000e+00> : vector<128x64xf32>
    %reduce_sum3A_177 = vector.multi_reduction <add>, %reshape3A_175, %reduce_sum3A_176 [1] : vector<128x64x64xf32> to vector<128x64xf32>
    %mul3A_178 = arith.constant 1.562500e-02 : f32
    %mul3A_179 = vector.broadcast %mul3A_178 : f32 to vector<128x64xf32>
    %mul3A_180 = arith.mulf %reduce_sum3A_177, %mul3A_179 : vector<128x64xf32>
    %get3A_181 = arith.constant 0 : index
    %get3A_182 = arith.constant 0 : index
    %get3A_183 = vector.load %arg16[%get3A_181, %get3A_182] : memref<64x32xf32, #tpu.memory_space<vmem>>, vector<64x32xf32>
    %dot_general3A_184 = arith.constant dense<0.000000e+00> : vector<128x32xf32>
    %dot_general3A_185 = tpu.matmul %mul3A_180, %get3A_183, %dot_general3A_184 {dimension_numbers = #tpu.dot_dimension_numbers<[1], [0], [0], [1], [0, 0, 1, 1], [], []>, transpose_lhs_hint = false} : vector<128x64xf32>, vector<64x32xf32>, vector<128x32xf32> -> vector<128x32xf32>
    %get3A_186 = arith.constant 0 : index
    %get3A_187 = arith.constant 0 : index
    %get3A_188 = vector.load %arg17[%get3A_186, %get3A_187] : memref<1x32xf32, #tpu.memory_space<vmem>>, vector<1x32xf32>
    %add3A_189 = vector.broadcast %get3A_188 : vector<1x32xf32> to vector<128x32xf32>
    %add3A_190 = arith.addf %dot_general3A_185, %add3A_189 : vector<128x32xf32>
    %get3A_191 = arith.constant 0 : index
    %get3A_192 = arith.constant 0 : index
    %get3A_193 = vector.load %arg18[%get3A_191, %get3A_192] : memref<64x32xf32, #tpu.memory_space<vmem>>, vector<64x32xf32>
    %dot_general3A_194 = arith.constant dense<0.000000e+00> : vector<128x32xf32>
    %dot_general3A_195 = tpu.matmul %mul3A_180, %get3A_193, %dot_general3A_194 {dimension_numbers = #tpu.dot_dimension_numbers<[1], [0], [0], [1], [0, 0, 1, 1], [], []>, transpose_lhs_hint = false} : vector<128x64xf32>, vector<64x32xf32>, vector<128x32xf32> -> vector<128x32xf32>
    %get3A_196 = arith.constant 0 : index
    %get3A_197 = arith.constant 0 : index
    %get3A_198 = vector.load %arg19[%get3A_196, %get3A_197] : memref<1x32xf32, #tpu.memory_space<vmem>>, vector<1x32xf32>
    %add3A_199 = vector.broadcast %get3A_198 : vector<1x32xf32> to vector<128x32xf32>
    %add3A_200 = arith.addf %dot_general3A_195, %add3A_199 : vector<128x32xf32>
    %swap3A = arith.constant 0 : index
    %swap3A_201 = arith.constant 0 : index
    %swap3A_202 = vector.load %arg32[%swap3A, %swap3A_201] : memref<128x32xf32, #tpu.memory_space<vmem>>, vector<128x32xf32>
    tpu.vector_store %arg32[%swap3A, %swap3A_201], %add3A_190 {strides = array<i32>} : memref<128x32xf32, #tpu.memory_space<vmem>>, vector<128x32xf32>,
    %swap3A_203 = arith.constant 0 : index
    %swap3A_204 = arith.constant 0 : index
    %swap3A_205 = vector.load %arg33[%swap3A_203, %swap3A_204] : memref<128x32xf32, #tpu.memory_space<vmem>>, vector<128x32xf32>
    tpu.vector_store %arg33[%swap3A_203, %swap3A_204], %add3A_200 {strides = array<i32>} : memref<128x32xf32, #tpu.memory_space<vmem>>, vector<128x32xf32>,
    %mul3A_206 = arith.constant 5.000000e-01 : f32
    %mul3A_207 = vector.broadcast %mul3A_206 : f32 to vector<128x32xf32>
    %mul3A_208 = arith.mulf %mul3A_207, %add3A_200 : vector<128x32xf32>
    %exp3A = math.exp %mul3A_208 : vector<128x32xf32>
    %get3A_209 = arith.constant 0 : index
    %get3A_210 = arith.constant 0 : index
    %get3A_211 = vector.load %arg3[%get3A_209, %get3A_210] : memref<128x32xf32, #tpu.memory_space<vmem>>, vector<128x32xf32>
    %mul3A_212 = arith.mulf %exp3A, %get3A_211 : vector<128x32xf32>
    %add3A_213 = arith.addf %add3A_190, %mul3A_212 : vector<128x32xf32>
    %get3A_214 = arith.constant 0 : index
    %get3A_215 = arith.constant 0 : index
    %get3A_216 = vector.load %arg20[%get3A_214, %get3A_215] : memref<32x64xf32, #tpu.memory_space<vmem>>, vector<32x64xf32>
    %dot_general3A_217 = arith.constant dense<0.000000e+00> : vector<128x64xf32>
    %dot_general3A_218 = tpu.matmul %add3A_213, %get3A_216, %dot_general3A_217 {dimension_numbers = #tpu.dot_dimension_numbers<[1], [0], [0], [1], [0, 0, 1, 1], [], []>, transpose_lhs_hint = false} : vector<128x32xf32>, vector<32x64xf32>, vector<128x64xf32> -> vector<128x64xf32>
    %get3A_219 = arith.constant 0 : index
    %get3A_220 = arith.constant 0 : index
    %get3A_221 = vector.load %arg21[%get3A_219, %get3A_220] : memref<1x64xf32, #tpu.memory_space<vmem>>, vector<1x64xf32>
    %add3A_222 = vector.broadcast %get3A_221 : vector<1x64xf32> to vector<128x64xf32>
    %add3A_223 = arith.addf %dot_general3A_218, %add3A_222 : vector<128x64xf32>
    %max3A_224 = arith.constant 0.000000e+00 : f32
    %max3A_225 = vector.broadcast %max3A_224 : f32 to vector<128x64xf32>
    %max3A_226 = arith.maximumf %add3A_223, %max3A_225 : vector<128x64xf32>
    %get3A_227 = arith.constant 0 : index
    %get3A_228 = arith.constant 0 : index
    %get3A_229 = vector.load %arg22[%get3A_227, %get3A_228] : memref<64x64xf32, #tpu.memory_space<vmem>>, vector<64x64xf32>
    %dot_general3A_230 = arith.constant dense<0.000000e+00> : vector<128x64xf32>
    %dot_general3A_231 = tpu.matmul %max3A_226, %get3A_229, %dot_general3A_230 {dimension_numbers = #tpu.dot_dimension_numbers<[1], [0], [0], [1], [0, 0, 1, 1], [], []>, transpose_lhs_hint = false} : vector<128x64xf32>, vector<64x64xf32>, vector<128x64xf32> -> vector<128x64xf32>
    %get3A_232 = arith.constant 0 : index
    %get3A_233 = arith.constant 0 : index
    %get3A_234 = vector.load %arg23[%get3A_232, %get3A_233] : memref<1x64xf32, #tpu.memory_space<vmem>>, vector<1x64xf32>
    %add3A_235 = vector.broadcast %get3A_234 : vector<1x64xf32> to vector<128x64xf32>
    %add3A_236 = arith.addf %dot_general3A_231, %add3A_235 : vector<128x64xf32>
    %get3A_237 = arith.constant 0 : index
    %get3A_238 = arith.constant 0 : index
    %get3A_239 = vector.load %arg24[%get3A_237, %get3A_238] : memref<128x64xf32, #tpu.memory_space<vmem>>, vector<128x64xf32>
    %dot_general3A_240 = arith.constant dense<0.000000e+00> : vector<8192x64xf32>
    %dot_general3A_241 = tpu.matmul %get3A_1, %get3A_239, %dot_general3A_240 {dimension_numbers = #tpu.dot_dimension_numbers<[1], [0], [0], [1], [0, 0, 1, 1], [], []>, transpose_lhs_hint = false} : vector<8192x128xf32>, vector<128x64xf32>, vector<8192x64xf32> -> vector<8192x64xf32>
    %get3A_242 = arith.constant 0 : index
    %get3A_243 = arith.constant 0 : index
    %get3A_244 = vector.load %arg25[%get3A_242, %get3A_243] : memref<1x64xf32, #tpu.memory_space<vmem>>, vector<1x64xf32>
    %add3A_245 = vector.broadcast %get3A_244 : vector<1x64xf32> to vector<8192x64xf32>
    %add3A_246 = arith.addf %dot_general3A_241, %add3A_245 : vector<8192x64xf32>
    %reshape3A_247 = vector.shape_cast %add3A_246 : vector<8192x64xf32> to vector<128x64x64xf32>
    %broadcast_in_dim3A_248 = vector.shape_cast %add3A_236 : vector<128x64xf32> to vector<128x1x64xf32>
    %add3A_249 = vector.broadcast %broadcast_in_dim3A_248 : vector<128x1x64xf32> to vector<128x64x64xf32>
    %add3A_250 = arith.addf %reshape3A_247, %add3A_249 : vector<128x64x64xf32>
    %reshape3A_251 = vector.shape_cast %add3A_250 : vector<128x64x64xf32> to vector<8192x64xf32>
    %get3A_252 = arith.constant 0 : index
    %get3A_253 = arith.constant 0 : index
    %get3A_254 = vector.load %arg26[%get3A_252, %get3A_253] : memref<64x64xf32, #tpu.memory_space<vmem>>, vector<64x64xf32>
    %dot_general3A_255 = arith.constant dense<0.000000e+00> : vector<8192x64xf32>
    %dot_general3A_256 = tpu.matmul %reshape3A_251, %get3A_254, %dot_general3A_255 {dimension_numbers = #tpu.dot_dimension_numbers<[1], [0], [0], [1], [0, 0, 1, 1], [], []>, transpose_lhs_hint = false} : vector<8192x64xf32>, vector<64x64xf32>, vector<8192x64xf32> -> vector<8192x64xf32>
    %get3A_257 = arith.constant 0 : index
    %get3A_258 = arith.constant 0 : index
    %get3A_259 = vector.load %arg28[%get3A_257, %get3A_258] : memref<1x64xf32, #tpu.memory_space<vmem>>, vector<1x64xf32>
    %add3A_260 = vector.broadcast %get3A_259 : vector<1x64xf32> to vector<8192x64xf32>
    %add3A_261 = arith.addf %dot_general3A_256, %add3A_260 : vector<8192x64xf32>
    %reshape3A_262 = vector.shape_cast %add3A_261 : vector<8192x64xf32> to vector<128x64x64xf32>
    %swap3A_263 = arith.constant 0 : index
    %swap3A_264 = arith.constant 0 : index
    %swap3A_265 = arith.constant 0 : index
    %swap3A_266 = vector.load %arg34[%swap3A_263, %swap3A_264, %swap3A_265] : memref<128x64x64xf32, #tpu.memory_space<vmem>>, vector<128x64x64xf32>
    tpu.vector_store %arg34[%swap3A_263, %swap3A_264, %swap3A_265], %reshape3A_262 {strides = array<i32>} : memref<128x64x64xf32, #tpu.memory_space<vmem>>, vector<128x64x64xf32>,
    %get3A_267 = arith.constant 0 : index
    %get3A_268 = arith.constant 0 : index
    %get3A_269 = vector.load %arg27[%get3A_267, %get3A_268] : memref<64x64xf32, #tpu.memory_space<vmem>>, vector<64x64xf32>
    %dot_general3A_270 = arith.constant dense<0.000000e+00> : vector<8192x64xf32>
    %dot_general3A_271 = tpu.matmul %reshape3A_251, %get3A_269, %dot_general3A_270 {dimension_numbers = #tpu.dot_dimension_numbers<[1], [0], [0], [1], [0, 0, 1, 1], [], []>, transpose_lhs_hint = false} : vector<8192x64xf32>, vector<64x64xf32>, vector<8192x64xf32> -> vector<8192x64xf32>
    %reshape3A_272 = vector.shape_cast %dot_general3A_271 : vector<8192x64xf32> to vector<128x64x64xf32>
    %swap3A_273 = arith.constant 0 : index
    %swap3A_274 = arith.constant 0 : index
    %swap3A_275 = arith.constant 0 : index
    %swap3A_276 = vector.load %arg35[%swap3A_273, %swap3A_274, %swap3A_275] : memref<128x64x64xf32, #tpu.memory_space<vmem>>, vector<128x64x64xf32>
    tpu.vector_store %arg35[%swap3A_273, %swap3A_274, %swap3A_275], %reshape3A_272 {strides = array<i32>} : memref<128x64x64xf32, #tpu.memory_space<vmem>>, vector<128x64x64xf32>,
    %get3A_277 = arith.constant 0 : index
    %get3A_278 = arith.constant 0 : index
    %get3A_279 = vector.load %arg29[%get3A_277, %get3A_278] : memref<1x64xf32, #tpu.memory_space<vmem>>, vector<1x64xf32>
    %get3A_280 = arith.constant 0 : index
    %get3A_281 = arith.constant 0 : index
    %get3A_282 = memref.load %arg30[%get3A_280, %get3A_281] : memref<1x1xf32, #tpu.memory_space<smem>>
    %scan3A = arith.constant 0 : i32
    %scan3A_283 = arith.constant 16 : i32
    %scan3A_284 = arith.addi %scan3A, %scan3A_283 : i32
    %scan3A_285 = arith.constant 1 : i32
    scf.for %scan3A_287 = %scan3A to %scan3A_284 step %scan3A_285  : i32 {
      %mul3A_288 = arith.constant 8 : i32
      %mul3A_289 = arith.muli %scan3A_287, %mul3A_288 : i32
      %get3A_290 = arith.index_cast %mul3A_289 : i32 to index
      %get3A_291 = arith.constant 0 : index
      %get3A_292 = arith.constant 0 : index
      %get3A_293 = vector.load %arg34[%get3A_290, %get3A_291, %get3A_292] : memref<128x64x64xf32, #tpu.memory_space<vmem>>, vector<8x64x64xf32>
      %mul3A_294 = arith.constant 8 : i32
      %mul3A_295 = arith.muli %scan3A_287, %mul3A_294 : i32
      %get3A_296 = arith.index_cast %mul3A_295 : i32 to index
      %get3A_297 = arith.constant 0 : index
      %get3A_298 = arith.constant 0 : index
      %get3A_299 = vector.load %arg35[%get3A_296, %get3A_297, %get3A_298] : memref<128x64x64xf32, #tpu.memory_space<vmem>>, vector<8x64x64xf32>
      %broadcast_in_dim3A_300 = vector.shape_cast %get3A_293 : vector<8x64x64xf32> to vector<8x64x1x64xf32>
      %broadcast_in_dim3A_301 = vector.shape_cast %get3A_299 : vector<8x64x64xf32> to vector<8x1x64x64xf32>
      %add3A_302 = vector.broadcast %broadcast_in_dim3A_300 : vector<8x64x1x64xf32> to vector<8x64x64x64xf32>
      %add3A_303 = vector.broadcast %broadcast_in_dim3A_301 : vector<8x1x64x64xf32> to vector<8x64x64x64xf32>
      %add3A_304 = arith.addf %add3A_302, %add3A_303 : vector<8x64x64x64xf32>
      %max3A_305 = arith.constant 0.000000e+00 : f32
      %max3A_306 = vector.broadcast %max3A_305 : f32 to vector<8x64x64x64xf32>
      %max3A_307 = arith.maximumf %add3A_304, %max3A_306 : vector<8x64x64x64xf32>
      %broadcast_in_dim3A_308 = vector.shape_cast %get3A_279 : vector<1x64xf32> to vector<1x1x1x64xf32>
      %mul3A_309 = vector.broadcast %broadcast_in_dim3A_308 : vector<1x1x1x64xf32> to vector<8x64x64x64xf32>
      %mul3A_310 = arith.mulf %max3A_307, %mul3A_309 : vector<8x64x64x64xf32>
      %reduce_sum3A_311 = arith.constant dense<0.000000e+00> : vector<8x64x64xf32>
      %reduce_sum3A_312 = vector.multi_reduction <add>, %mul3A_310, %reduce_sum3A_311 [3] : vector<8x64x64x64xf32> to vector<8x64x64xf32>
      %add3A_313 = vector.broadcast %get3A_282 : f32 to vector<8x64x64xf32>
      %add3A_314 = arith.addf %reduce_sum3A_312, %add3A_313 : vector<8x64x64xf32>
      %mul3A_315 = arith.constant 8 : i32
      %mul3A_316 = arith.muli %scan3A_287, %mul3A_315 : i32
      %swap3A_317 = arith.index_cast %mul3A_316 : i32 to index
      %swap3A_318 = arith.constant 0 : index
      %swap3A_319 = arith.constant 0 : index
      %swap3A_320 = vector.load %arg31[%swap3A_317, %swap3A_318, %swap3A_319] : memref<128x64x64xf32, #tpu.memory_space<vmem>>, vector<8x64x64xf32>
      tpu.vector_store %arg31[%swap3A_317, %swap3A_318, %swap3A_319], %add3A_314 {strides = array<i32>} : memref<128x64x64xf32, #tpu.memory_space<vmem>>, vector<8x64x64xf32>,
    }
    %scan3A_286 = arith.constant 16 : i32
    return
  }
}

</mosaic_0001>

<sc_bundles>
// kernel: kernel.4.cloned.1.call-start
scs
__scs_entry_jumppad:
0x0: {  	(pc) =	sbr.rel $0x88, $3  }
0x1: {  	(tag) =	ssettag $0x0;
	lr =	simm.s32 $0x1  }
0x2: {  	[smem:$0x3F85] =	sst lr;
	_ =	strace $0xD0000000  }
0x3: {  	_ = 	snop  }
0x4: {  	_ = 	snop  }
0x5: {  	_ = 	snop  }
0x6: {  	_ = 	snop  }
0x7: {  	_ = 	snop  }
__scs_overlays_trampoline_lowered:
0x8: {  	[smem:$0x3F94] =	sst s0  }
0x9: {  	[smem:$0x3F95] =	sst s1  }
0xa: {  	[smem:$0x3F96] =	sst s2  }
0xb: {  	[smem:$0x3F97] =	sst s3  }
0xc: {  	[smem:$0x3F98] =	sst s4  }
0xd: {  	[smem:$0x3F99] =	sst s5  }
0xe: {  	[smem:$0x3F9A] =	sst s6  }
0xf: {  	[smem:$0x3F9B] =	sst s7  }
0x10: {  	[smem:$0x3F9C] =	sst s8  }
0x11: {  	[smem:$0x3F9D] =	sst s9;
	s0 =	simm.s32 @!p0 $0x0  }
0x12: {  	s1 =	sld [smem:$0x3F83];
	s0 =	simm.s32 @p0 $0x1  }
0x13: {  	[smem:$0x3F9E] =	sst s0;
	s0 =	simm.s32 @!p1 $0x0  }
0x14: {  	s2 =	sld [smem:$0x3F82];
	s0 =	simm.s32 @p1 $0x1  }
0x15: {  	[smem:$0x3F9F] =	sst s0;
	s0 =	simm.s32 @!p2 $0x0  }
0x16: {  	s3 =	sld [smem:$0x3FDB];
	s0 =	simm.s32 @p2 $0x1  }
0x17: {  	s4 =	simm.s32 $0x1BF5;
	[smem:$0x3FA1] =	sst s0  }
0x18: {  	s0 =	sld [smem:$0x3F84];
	_ =	swait.ge [sflag:s4], $0x0  }
0x19: {  	s7 =	sld [smem:$0x3F85]  }
0x1a: {  	s8 =	sadd.s32 $0xFFFFE003, lr  }
0x1b: {  	s9 =	sadd.s32 $0xFFFFFEF7, lr;
	s5 =	simm.s32 $0xFFFFFFFF;
	p2 =	slt.u32 s8, $0xFFFFF086  }
0x1c: {  	p1 =	slt.u32 s9, $0xF7A;
	s5 =	simm.s32 @!p2 $0x0  }
0x1d: {  	s5 =	simm.s32 @p1 $0x1;
	p0 =	seq.s32 s7, s2  }
0x1e: {  	s7 =	smul.u32 @!p0 $0xF7A, s2;
	p2 =	seq.s32 @!p0 s5, $0x0  }
0x1f: {  	s9 =	smul.u32 $0xF7A, s1;
	s8 =	simm.s32 @!p0 $0x1BF5;
	p2 =	por !p2, p0  }
0x20: {  	[sflag:s8] =	ssyncset.s32 @!p0 $0xFFFFF086;
	s6 =	sadd.s32 @!p0 s3, s7;
	s7 =	simm.s32 @!p0 $0x108  }
0x21: {  	s3 =	sadd.s32 s3, s9;
	s6 =	sadd.s32 @!p0 $0x88, s6;
	s7 =	simm.s32 @p2 $0x1082  }
0x22: {  	[simem:s7], [sflag:s8] =	dma.local @!p0 [hbm:s6], $0xF7A  }
0x23: {  	s9 =	sor.u32 $0xD0000000, s2;
	s6 =	simm.s32 $0x108;
	_ =	swait.ge @!p0 [sflag:s8], $0x0  }
0x24: {  	s3 =	sadd.s32 $0x88, s3;
	s6 =	simm.s32 @!p1 $0x1082;
	[sflag:s4] =	ssyncset.s32 $0xFFFFF086  }
0x25: {  	[simem:s6], [sflag:s4] =	dma.local [hbm:s3], $0xF7A  }
0x26: {  	[smem:$0x3F85] =	sst s1;
	(tag) =	ssettag s2;
	_ =	strace s9  }
0x27: {  	s1 =	sld [smem:$0x3F95]  }
0x28: {  	s2 =	sld [smem:$0x3F96]  }
0x29: {  	s4 =	sld [smem:$0x3F98]  }
0x2a: {  	p0 =	seq.s32 s5, $0x0;
	s5 =	sld [smem:$0x3F99]  }
0x2b: {  	s6 =	sld [smem:$0x3F9A]  }
0x2c: {  	s7 =	sld [smem:$0x3F9B]  }
0x2d: {  	s3 =	simm.s32 $0x108;
	s8 =	sld [smem:$0x3F9C]  }
0x2e: {  	s3 =	simm.s32 @!p0 $0x1082;
	s9 =	sld [smem:$0x3F9D]  }
0x2f: {  	lr =	sadd.s32 s0, s3;
	s0 =	sld [smem:$0x3F94]  }
0x30: {  	s3 =	sld [smem:$0x3F97]  }
0x31: {  	[smem:$0x3FA0] =	sst s10  }
0x32: {  	s10 =	sld [smem:$0x3F9E];
	_ =	sdelay $0x3  }
0x33: {  	p0 =	seq.s32 s10, $0x1;
	s10 =	sld [smem:$0x3FA0];
	_ =	sdelay $0x3  }
0x34: {  	[smem:$0x3FA0] =	sst s10  }
0x35: {  	s10 =	sld [smem:$0x3F9F];
	_ =	sdelay $0x3  }
0x36: {  	p1 =	seq.s32 s10, $0x1;
	s10 =	sld [smem:$0x3FA0];
	_ =	sdelay $0x3  }
0x37: {  	[smem:$0x3FA0] =	sst s10  }
0x38: {  	s10 =	sld [smem:$0x3FA1]  }
0x39: {  	_ = 	snop;
	(pc) =	sbr.ind lr, $3  }
0x3a: {  	_ = 	snop  }
0x3b: {  	_ = 	snop  }
0x3c: {  	p2 =	seq.s32 s10, $0x1;
	s10 =	sld [smem:$0x3FA0]  }
0x3d: {  	_ =	shalt  }
0x3e: {  	_ =	shalt  }
0x3f: {  	_ =	shalt  }
0x40: {  	_ =	shalt  }
0x41: {  	_ =	shalt  }
0x42: {  	_ =	shalt  }
0x43: {  	_ =	shalt  }
0x44: {  	_ =	shalt  }
0x45: {  	_ =	shalt  }
0x46: {  	_ =	shalt  }
0x47: {  	_ =	shalt  }
0x48: {  	_ =	shalt  }
0x49: {  	_ =	shalt  }
0x4a: {  	_ =	shalt  }
0x4b: {  	_ =	shalt  }
0x4c: {  	_ =	shalt  }
0x4d: {  	_ =	shalt  }
0x4e: {  	_ =	shalt  }
0x4f: {  	_ =	shalt  }
0x50: {  	_ =	shalt  }
0x51: {  	_ =	shalt  }
0x52: {  	_ =	shalt  }
0x53: {  	_ =	shalt  }
0x54: {  	_ =	shalt  }
0x55: {  	_ =	shalt  }
0x56: {  	_ =	shalt  }
0x57: {  	_ =	shalt  }
0x58: {  	_ =	shalt  }
0x59: {  	_ =	shalt  }
0x5a: {  	_ =	shalt  }
0x5b: {  	_ =	shalt  }
0x5c: {  	_ =	shalt  }
0x5d: {  	_ =	shalt  }
0x5e: {  	_ =	shalt  }
0x5f: {  	_ =	shalt  }
0x60: {  	_ =	shalt  }
0x61: {  	_ =	shalt  }
0x62: {  	_ =	shalt  }
0x63: {  	_ =	shalt  }
0x64: {  	_ =	shalt  }
0x65: {  	_ =	shalt  }
0x66: {  	_ =	shalt  }
0x67: {  	_ =	shalt  }
0x68: {  	_ =	shalt  }
0x69: {  	_ =	shalt  }
0x6a: {  	_ =	shalt  }
0x6b: {  	_ =	shalt  }
0x6c: {  	_ =	shalt  }
0x6d: {  	_ =	shalt  }
0x6e: {  	_ =	shalt  }
0x6f: {  	_ =	shalt  }
0x70: {  	_ =	shalt  }
0x71: {  	_ =	shalt  }
0x72: {  	_ =	shalt  }
0x73: {  	_ =	shalt  }
0x74: {  	_ =	shalt  }
0x75: {  	_ =	shalt  }
0x76: {  	_ =	shalt  }
0x77: {  	_ =	shalt  }
0x78: {  	_ =	shalt  }
0x79: {  	_ =	shalt  }
0x7a: {  	_ =	shalt  }
0x7b: {  	_ =	shalt  }
0x7c: {  	_ =	shalt  }
0x7d: {  	_ =	shalt  }
0x7e: {  	_ =	shalt  }
0x7f: {  	_ =	shalt  }
0x80: {  	_ =	shalt  }
0x81: {  	_ =	shalt  }
0x82: {  	_ =	shalt  }
0x83: {  	_ =	shalt  }
0x84: {  	_ =	shalt  }
0x85: {  	_ =	shalt  }
0x86: {  	_ =	shalt  }
0x87: {  	_ =	shalt  }
.Lfunc_end0:
.L_simem_size_0:
called_computation_lowered:
.L_overlay_start_0:
0x88: {  	s2 =	sld [smem:$0x3FD9]  }
0x89: {  	s3 =	sld [smem:$0x3FFE];
	_ =	sdelay $0x1  }
0x8a: {  	s1 =	srdreg.scid  }
0x8b: {  	s0 =	sand.u32 $0x1, s1  }
0x8c: {  	s14 =	sshll.u32 s0, $0xA;
	s2 =	sadd.s32 s3, s2  }
0x8d: {  	s2 =	sadd.s32 s2, s14  }
0x8e: {  	[smem:$0x3FAC] =	sst s2  }
0x8f: {  	_ = 	snop  }
0x90: {  	s2 =	sld [smem:$0x3FD0];
	_ =	sdelay $0x2  }
0x91: {  	s15 =	simm.s32 $0xA;
	s4 =	simm.s32 $0x10  }
0x92: {  	[smem:s4], [sflag:s15] =	dma.local [hbm:s2], $0x1  }
0x93: {  	_ =	swait.eq [sflag:s15], $0x1  }
0x94: {  	[sflag:s15] =	ssyncset.done $0x0  }
0x95: {  	s16 =	sld [smem:$0x10];
	[sflag:s15] =	ssyncadd.s32 $0xFFFFFFFF  }
0x96: {  	s17 =	sld [smem:$0x11];
	(tm) =	ssettm $0x1  }
0x97: {  	s18 =	sld [smem:$0x3FFB];
	_ =	sdelay $0x3  }
0x98: {  	_ =	strace s18  }
0x99: {  	s4 =	sld [smem:$0x3FFC];
	_ =	sdelay $0x3  }
0x9a: {  	_ =	strace s4  }
0x9b: {  	s4 =	sld [smem:$0x3FFD];
	_ =	sdelay $0x3  }
0x9c: {  	_ =	strace s4  }
0x9d: {  	_ =	strace $0x8FFFFFFF  }
0x9e: {  	s19 =	sld [smem:$0x3FDB];
	_ =	sdelay $0x1  }
0x9f: {  	s5 =	simm.s32 $_scs_section_size  }
0xa0: {  	s6 =	simm.s32 $_size__tile_overlayer_lowered;
	s7 =	simm.s32 $_tile_overlayer_lowered  }
0xa1: {  	s22 =	simm.s32 $0x1BFF;
	s21 =	sshll.u32 s7, $0x1;
	s4 =	sadd.s32 s5, s19  }
0xa2: {  	s8 =	simm.s32 $0x0;
	s20 =	sshll.u32 s6, $0x1;
	s6 =	sadd.s32 s21, s4  }
0xa3: {  	[timem:s8], [sflag:s22] =	dma.local [hbm:s6], s20  }
0xa4: {  	_ =	swait.ge [sflag:s22], s20  }
0xa5: {  	s5 =	ssub.s32 $0x0, s20;
	[sflag:s22] =	ssyncset.done $0x0  }
0xa6: {  	[sflag:s22] =	ssyncadd.s32 s5;
	_ =	sdelay $0x1  }
0xa7: {  	s23 =	simm.s32 $0x1B8B  }
0xa8: {  	_ =	swait.ge [sflag:s23], $0x1  }
0xa9: {  	[sflag:s23] =	ssyncset.done $0x0  }
0xaa: {  	s25 =	simm.s32 $0x1B8E;
	s24 =	sld [smem:$0x3FFE];
	[sflag:s23] =	ssyncadd.s32 $0xFFFFFFFF  }
0xab: {  	s26 =	simm.s32 $execute0_lowered;
	[smem:$0x3FD2] =	sst s25  }
0xac: {  	s6 =	sshll.u32 s26, $0x1;
	_ =	strace $0x80000046;
	[dreg:$0x1] =	wrdreg $0xFFFFFFFF  }
0xad: {  	s28 =	simm.s32 $_size_execute0_lowered;
	s4 =	sadd.s32 s4, s6;
	[dreg:$0x0] =	wrdreg $0x0  }
0xae: {  	s6 =	sshll.u32 s28, $0x1;
	[dreg:$0x2] =	wrdreg s4  }
0xaf: {  	[dreg:$0x3] =	wrdreg s6  }
0xb0: {  	[dreg:$0x4] =	wrdreg $0xC0  }
0xb1: {  	_ =	task [dreg:s8], $0x5FFFF  }
0xb2: {  	[dreg:$0x1] =	wrdreg $0xFFFFFFFF  }
0xb3: {  	[dreg:$0x0] =	wrdreg $0x60  }
0xb4: {  	[dreg:$0x2] =	wrdreg s24  }
0xb5: {  	[dreg:$0x3] =	wrdreg s17  }
0xb6: {  	[dreg:$0x4] =	wrdreg s16  }
0xb7: {  	[dreg:$0x5] =	wrdreg $0x9  }
0xb8: {  	_ =	task.clear_ibuf [dreg:s8], $0x6FFFF;
	_ =	strace $0x90000046  }
0xb9: {  	s29 =	simm.s32 $0x9;
	_ =	strace $0x80000048  }
0xba: {  	_ =	swait.ge [sflag:s29], $0x1  }
0xbb: {  	[sflag:s29] =	ssyncadd.s32 $0xFFFFFFFF  }
0xbc: {  	_ =	strace $0x90000048  }
0xbd: {  	_ =	sfence  }
0xbe: {  	s30 =	sld [smem:$0x0];
	_ =	sdelay $0x2  }
0xbf: {  	s31 =	sshll.u32 s1, $0xD;
	s1 =	sshrl.u32 s1, $0x2  }
0xc0: {  	s3 =	sand.u32 $0x4000, s31;
	s1 =	sadd.s32 s1, s30  }
0xc1: {  	s0 =	sor.u32 s3, s0;
	s1 =	sshll.u32 s1, $0x11  }
0xc2: {  	s0 =	sor.u32 s1, s0  }
0xc3: {  	s0 =	sadd.s32 $0x8F2B, s0  }
0xc4: {  	[sflag:s0] =	ssyncadd.remote.s32 $0x1  }
0xc5: {  	_ =	sfence.sel $0xFFFF  }
0xc6: {  	[dreg:$0x0] =	wrdreg $0xFFFFFFFF;
	(pc) =	sbr.abs _section_cstart, $3  }
0xc7: {  	[dreg:$0x1] =	wrdreg $0xFFFFFFFF  }
0xc8: {  	_ =	task.clear_ibuf [dreg:s8], $0x2FFFF;
	_ =	strace $0x9FFFFFFF  }
0xc9: {  	(tm) =	ssettm $0x7FFFFFFF  }
tec
execute0_lowered:
.L_overlay_start_1:
0x0: {  	(tag) =	ssettag $0x1  }
0x1: {  	s1 =	stileid.u32  }
0x2: {  	p0 =	sgt.u32 s1, $0x7  }
.Ltmp0:
0x3: {  	s6 =	rddreg [dreg:$0x0];
	(pc) =	sbr.rel @p0 .LBB2_5-.Ltmp0, $4  }
0x4: {  	s5 =	rddreg [dreg:$0x1]  }
0x5: {  	s4 =	rddreg [dreg:$0x2];
	s2 =	simm.s32 $0x0  }
0x6: {  	[smem:$0x7FF] =	sst s2  }
0x7: {  	s0 =	rddreg [dreg:$0x3];
	_ =	strace $0x80000047  }
0x8: {  	s3 =	srdreg.scid  }
0x9: {  	s7 =	sshll.u32 s1, $0x1;
	s9 =	sadd.s32 $0x6000, s6;
	s11 =	sadd.s32 $0x4000, s6  }
0xa: {  	p0 =	slt.u32 s1, $0x4;
	s12 =	simm.s32 $0x2000;
	s13 =	simm.s32 $0x1  }
0xb: {  	p1 =	sgt.u32 s1, $0x3;
	s8 =	sand.u32 $0x1, s3;
	s26 =	sand.u32 $0x6, s7  }
0xc: {  	s14 =	simm.s32 $0x0;
	s3 =	sadd.s32 $0x8000, s6;
	s7 =	sor.u32 s8, s26  }
0xd: {  	s8 =	ssub.s32 $0x2, s8;
	s10 =	sshll.u32 s7, $0x7;
	s29 =	sshll.u32 s7, $0xD  }
0xe: {  	s30 =	sshrl.u32 s8, $0x1;
	s31 =	sshll.u32 s7, $0xA;
	s28 =	sadd.s32 s10, s6  }
0xf: {  	vm0 =	vmxor vm0, vm0;
	s4 =	sadd.s32 s4, s29;
	s5 =	sadd.s32 s5, s29;
	s10 =	ssub.s32 s8, s30  }
0x10: {  	v3 =	vlaneseq.u32;
	v2 =	vimm.f32 $1.000000000e+00;
	vm0 =	vmneg @p0 vm0;
	s7 =	sadd.s32 s11, s31;
	s8 =	sadd.s32 s9, s31;
	s11 =	simm.s32 $0x14000  }
0x11: {  	v0 =	vmul.u32 $0x200, v3;
	v1 =	vmul.u32 $0x1000, v3;
	v3 =	vmul.u32 $0x40, v3;
	s6 =	sadd.s32 $0xA000, s28;
	s9 =	smax.u32 s10, $0x1;
	s10 =	simm.s32 $0x4000  }
.LBB2_2:
0x12: {  	[tilespmem:s10], [sflag:$0x1] =	stream.linear.gather [hbm4b:s3+s2], $0x10000, $0x38;
	[tilespmem:$0x14400] =	vst v63  }
0x13: {  	_ = 	snop  }
0x14: {  	[tilespmem:s11], [sflag:$0x1] =	stream.linear.gather [hbm4b:s3+s2], $0x400, $0x38;
	[tilespmem:$0x14400] =	vst v63  }
0x15: {  	_ = 	snop  }
0x16: {  	[tilespmem:s2], [sflag:$0x1] =	stream.linear.gather [hbm4b:s8+s2], $0x2000, $0x38;
	[tilespmem:$0x14400] =	vst v63  }
0x17: {  	_ = 	snop  }
0x18: {  	[tilespmem:s12], [sflag:$0x1] =	stream.linear.gather [hbm4b:s7+s2], $0x2000, $0x38;
	[tilespmem:$0x14400] =	vst v63  }
0x19: {  	_ =	swait.ge [sflag:s13], $0x10000  }
0x1a: {  	[sflag:s13] =	ssyncset.done $0x0  }
0x1b: {  	[sflag:s13] =	ssyncadd.s32 $0xFFFF0000  }
0x1c: {  	_ =	swait.ge [sflag:s13], $0x400  }
0x1d: {  	[sflag:s13] =	ssyncset.done $0x0  }
0x1e: {  	[sflag:s13] =	ssyncadd.s32 $0xFFFFFC00  }
0x1f: {  	_ =	swait.ge [sflag:s13], $0x2000  }
0x20: {  	[sflag:s13] =	ssyncset.done $0x0  }
0x21: {  	[sflag:s13] =	ssyncadd.s32 $0xFFFFE000  }
0x22: {  	_ =	swait.ge [sflag:s13], $0x2000  }
0x23: {  	[sflag:s13] =	ssyncset.done $0x0  }
0x24: {  	s15 =	simm.s32 $0x7;
	[sflag:s13] =	ssyncadd.s32 $0xFFFFE000  }
.LBB2_3:
0x25: {  	s16 =	sadd.s32 $0xFFFFFFF9, s15  }
0x26: {  	v4 =	vor.u32 s16, v0;
	_ =	sdelay $0x4  }
0x27: {  	v5 =	vld.idx.msk [tilespmem:v4+s2+$0x0], $0xffff  }
0x28: {  	v4 =	vld.idx.msk [tilespmem:v4+s12+$0x0], $0xffff;
	_ =	sdelay $0x4  }
0x29: {  	v5 =	vand.u32 $0x3F, v5;
	v4 =	vand.u32 $0x3F, v4  }
0x2a: {  	v6 =	vshll.u32 v5, $0x6;
	v7 =	vshll.u32 v4, $0x6  }
0x2b: {  	v6 =	vor.u32 v4, v6;
	v5 =	vor.u32 v5, v7  }
0x2c: {  	v5 =	vpsel p0, v6, v5  }
0x2d: {  	v5 =	vor.u32 v1, v5  }
0x2e: {  	s25 =	sadd.s32 $0xFFFFFFFA, s15;
	v4 =	vor.u32 v3, v4  }
0x2f: {  	v43 =	vor.u32 s25, v0;
	_ =	sdelay $0x2  }
0x30: {  	[tilespmem:v5+s10+$0x0] =	vst.idx.add.f32.msk $0xffff, v2  }
0x31: {  	[tilespmem:v4+s11+$0x0] =	vst.idx.add.f32.msk vm0, v2  }
0x32: {  	v4 =	vld.idx.msk [tilespmem:v43+s2+$0x0], $0xffff  }
0x33: {  	v5 =	vld.idx.msk [tilespmem:v43+s12+$0x0], $0xffff;
	_ =	sdelay $0x4  }
0x34: {  	v4 =	vand.u32 $0x3F, v4;
	v5 =	vand.u32 $0x3F, v5  }
0x35: {  	v44 =	vshll.u32 v4, $0x6;
	v45 =	vshll.u32 v5, $0x6  }
0x36: {  	v6 =	vor.u32 v5, v44;
	v4 =	vor.u32 v4, v45  }
0x37: {  	v4 =	vpsel p0, v6, v4  }
0x38: {  	v4 =	vor.u32 v1, v4  }
0x39: {  	s26 =	sadd.s32 $0xFFFFFFFB, s15;
	v5 =	vor.u32 v3, v5  }
0x3a: {  	v46 =	vor.u32 s26, v0;
	_ =	sdelay $0x2  }
0x3b: {  	[tilespmem:v4+s10+$0x0] =	vst.idx.add.f32.msk $0xffff, v2  }
0x3c: {  	[tilespmem:v5+s11+$0x0] =	vst.idx.add.f32.msk vm0, v2  }
0x3d: {  	v4 =	vld.idx.msk [tilespmem:v46+s2+$0x0], $0xffff  }
0x3e: {  	v5 =	vld.idx.msk [tilespmem:v46+s12+$0x0], $0xffff;
	_ =	sdelay $0x4  }
0x3f: {  	v4 =	vand.u32 $0x3F, v4;
	v5 =	vand.u32 $0x3F, v5  }
0x40: {  	v47 =	vshll.u32 v4, $0x6;
	v48 =	vshll.u32 v5, $0x6  }
0x41: {  	v6 =	vor.u32 v5, v47;
	v4 =	vor.u32 v4, v48  }
0x42: {  	v4 =	vpsel p0, v6, v4  }
0x43: {  	v4 =	vor.u32 v1, v4  }
0x44: {  	s28 =	sadd.s32 $0xFFFFFFFC, s15;
	v5 =	vor.u32 v3, v5  }
0x45: {  	v49 =	vor.u32 s28, v0;
	_ =	sdelay $0x2  }
0x46: {  	[tilespmem:v4+s10+$0x0] =	vst.idx.add.f32.msk $0xffff, v2  }
0x47: {  	[tilespmem:v5+s11+$0x0] =	vst.idx.add.f32.msk vm0, v2  }
0x48: {  	v4 =	vld.idx.msk [tilespmem:v49+s2+$0x0], $0xffff  }
0x49: {  	v5 =	vld.idx.msk [tilespmem:v49+s12+$0x0], $0xffff;
	_ =	sdelay $0x4  }
0x4a: {  	v4 =	vand.u32 $0x3F, v4;
	v5 =	vand.u32 $0x3F, v5  }
0x4b: {  	v50 =	vshll.u32 v4, $0x6;
	v51 =	vshll.u32 v5, $0x6  }
0x4c: {  	v6 =	vor.u32 v5, v50;
	v4 =	vor.u32 v4, v51  }
0x4d: {  	v4 =	vpsel p0, v6, v4  }
0x4e: {  	v4 =	vor.u32 v1, v4  }
0x4f: {  	s29 =	sadd.s32 $0xFFFFFFFD, s15;
	v5 =	vor.u32 v3, v5  }
0x50: {  	v52 =	vor.u32 s29, v0;
	_ =	sdelay $0x2  }
0x51: {  	[tilespmem:v4+s10+$0x0] =	vst.idx.add.f32.msk $0xffff, v2  }
0x52: {  	[tilespmem:v5+s11+$0x0] =	vst.idx.add.f32.msk vm0, v2  }
0x53: {  	v4 =	vld.idx.msk [tilespmem:v52+s2+$0x0], $0xffff  }
0x54: {  	v5 =	vld.idx.msk [tilespmem:v52+s12+$0x0], $0xffff;
	_ =	sdelay $0x4  }
0x55: {  	v4 =	vand.u32 $0x3F, v4;
	v5 =	vand.u32 $0x3F, v5  }
0x56: {  	v53 =	vshll.u32 v4, $0x6;
	v54 =	vshll.u32 v5, $0x6  }
0x57: {  	v6 =	vor.u32 v5, v53;
	v4 =	vor.u32 v4, v54  }
0x58: {  	v4 =	vpsel p0, v6, v4  }
0x59: {  	v4 =	vor.u32 v1, v4  }
0x5a: {  	s30 =	sadd.s32 $0xFFFFFFFE, s15;
	v5 =	vor.u32 v3, v5  }
0x5b: {  	v55 =	vor.u32 s30, v0;
	_ =	sdelay $0x2  }
0x5c: {  	[tilespmem:v4+s10+$0x0] =	vst.idx.add.f32.msk $0xffff, v2  }
0x5d: {  	[tilespmem:v5+s11+$0x0] =	vst.idx.add.f32.msk vm0, v2  }
0x5e: {  	v4 =	vld.idx.msk [tilespmem:v55+s2+$0x0], $0xffff  }
0x5f: {  	v5 =	vld.idx.msk [tilespmem:v55+s12+$0x0], $0xffff;
	_ =	sdelay $0x4  }
0x60: {  	v4 =	vand.u32 $0x3F, v4;
	v5 =	vand.u32 $0x3F, v5  }
0x61: {  	v56 =	vshll.u32 v4, $0x6;
	v57 =	vshll.u32 v5, $0x6  }
0x62: {  	v6 =	vor.u32 v5, v56;
	v4 =	vor.u32 v4, v57  }
0x63: {  	v4 =	vpsel p0, v6, v4  }
0x64: {  	v4 =	vor.u32 v1, v4  }
0x65: {  	s31 =	sadd.s32 $0xFFFFFFFF, s15;
	v5 =	vor.u32 v3, v5  }
0x66: {  	v58 =	vor.u32 s31, v0;
	_ =	sdelay $0x2  }
0x67: {  	[tilespmem:v4+s10+$0x0] =	vst.idx.add.f32.msk $0xffff, v2  }
0x68: {  	[tilespmem:v5+s11+$0x0] =	vst.idx.add.f32.msk vm0, v2  }
0x69: {  	v4 =	vld.idx.msk [tilespmem:v58+s2+$0x0], $0xffff  }
0x6a: {  	v5 =	vld.idx.msk [tilespmem:v58+s12+$0x0], $0xffff;
	_ =	sdelay $0x4  }
0x6b: {  	v4 =	vand.u32 $0x3F, v4;
	v5 =	vand.u32 $0x3F, v5  }
0x6c: {  	v59 =	vshll.u32 v4, $0x6;
	v60 =	vshll.u32 v5, $0x6  }
0x6d: {  	v6 =	vor.u32 v5, v59;
	v4 =	vor.u32 v4, v60  }
0x6e: {  	v4 =	vpsel p0, v6, v4  }
0x6f: {  	v4 =	vor.u32 v1, v4  }
0x70: {  	v5 =	vor.u32 v3, v5  }
0x71: {  	v61 =	vor.u32 s15, v0;
	_ =	sdelay $0x2  }
0x72: {  	[tilespmem:v4+s10+$0x0] =	vst.idx.add.f32.msk $0xffff, v2  }
0x73: {  	[tilespmem:v5+s11+$0x0] =	vst.idx.add.f32.msk vm0, v2  }
0x74: {  	v4 =	vld.idx.msk [tilespmem:v61+s2+$0x0], $0xffff  }
0x75: {  	v5 =	vld.idx.msk [tilespmem:v61+s12+$0x0], $0xffff;
	_ =	sdelay $0x4  }
0x76: {  	v4 =	vand.u32 $0x3F, v4;
	v5 =	vand.u32 $0x3F, v5  }
0x77: {  	v62 =	vshll.u32 v4, $0x6;
	v63 =	vshll.u32 v5, $0x6  }
0x78: {  	v6 =	vor.u32 v5, v62;
	v4 =	vor.u32 v4, v63  }
0x79: {  	v4 =	vpsel p0, v6, v4  }
0x7a: {  	v4 =	vor.u32 v1, v4  }
0x7b: {  	p2 =	sne.s32 s15, $0x1FF;
	v5 =	vor.u32 v3, v5  }
.Ltmp1:
0x7c: {  	_ = 	snop;
	(pc) =	sbr.rel @p2 .LBB2_3-.Ltmp1, $3  }
0x7d: {  	_ =	sdelay $0x1  }
0x7e: {  	[tilespmem:v4+s10+$0x0] =	vst.idx.add.f32.msk $0xffff, v2  }
0x7f: {  	s15 =	sadd.s32 $0x8, s15;
	[tilespmem:v5+s11+$0x0] =	vst.idx.add.f32.msk vm0, v2  }
0x80: {  	s15 =	simm.s32 @p1 $0x0;
	s16 =	simm.s32 @p1 $0x4000  }
0x81: {  	[hbm4b:s4+s15] =	stream.linear.scatter @p1 [tilespmem:s16], [sflag:$0x2], $0x10000, $0x38;
	[tilespmem:$0x14400] =	vst v63  }
0x82: {  	s15 =	simm.s32 @p1 $0x2  }
0x83: {  	_ =	swait.ge @p1 [sflag:s15], $0x10000  }
0x84: {  	[sflag:s15] =	ssyncset.done @p1 $0x0  }
0x85: {  	s16 =	simm.s32 @!p1 $0x4000;
	[sflag:s15] =	ssyncadd.s32 @p1 $0xFFFF0000;
	s15 =	simm.s32 @!p1 $0x0  }
0x86: {  	[hbm4b:s5+s15] =	stream.linear.scatter @!p1 [tilespmem:s16], [sflag:$0x2], $0x10000, $0x38;
	[tilespmem:$0x14400] =	vst v63  }
0x87: {  	s16 =	simm.s32 @!p1 $0x2  }
0x88: {  	s14 =	sadd.s32 $0x1, s14;
	_ =	swait.ge @!p1 [sflag:s16], $0x10000  }
0x89: {  	p2 =	sne.s32 s14, s9;
	[sflag:s16] =	ssyncset.done @!p1 $0x0  }
.Ltmp2:
0x8a: {  	s17 =	simm.s32 @!p1 $0x14000;
	[sflag:s16] =	ssyncadd.s32 @!p1 $0xFFFF0000;
	(pc) =	sbr.rel @p2 .LBB2_2-.Ltmp2, $4  }
0x8b: {  	[hbm4b:s6+s15] =	stream.linear.scatter @!p1 [tilespmem:s17], [sflag:$0x2], $0x400, $0x38;
	[tilespmem:$0x14400] =	vst v63  }
0x8c: {  	_ =	swait.ge @!p1 [sflag:s16], $0x400  }
0x8d: {  	[sflag:s16] =	ssyncset.done @!p1 $0x0  }
0x8e: {  	[sflag:s16] =	ssyncadd.s32 @!p1 $0xFFFFFC00  }
.LBB2_5:
0x8f: {  	_ =	sfence.sel $0x180000  }
0x90: {  	[bflag:$0x0] =	sbarrier.arrive $0xFFFF  }
0x91: {  	p0 =	sne.s32 s1, $0x0;
	_ =	strace $0x90000047  }
0x92: {  	s0 =	sadd.s32 @!p0 $0x100000, s0;
	[bflag:$0x2] =	sbarrier.arrive $0xFFFF  }
0x93: {  	[sflag:s0] =	ssyncadd.tile.s32 @!p0 $0x1;
	_ =	shalt  }
.Lfunc_end2:
_tile_overlayer_lowered:
.L_overlay_start_2:
0x94: {  	(tag) =	ssettag $0x2  }
0x95: {  	s0 =	rddreg [dreg:$0x0];
	s2 =	stileid.u32  }
0x96: {  	s1 =	rddreg [dreg:$0x1];
	p0 =	sne.s32 s2, $0x0  }
0x97: {  	s3 =	rddreg [dreg:$0x2];
	[bflag:$0x3] =	sbarrier.arrive $0xFFFF;
	s2 =	simm.s32 @!p0 $0x1C02  }
0x98: {  	[timem:s3], [sflag:s2] =	dma.local @!p0 [hbm:s0], s1  }
0x99: {  	s0 =	simm.s32 @!p0 $0x2  }
0x9a: {  	_ =	swait.ge @!p0 [sflag:s0], s1  }
0x9b: {  	s1 =	ssub.s32 @!p0 $0x0, s1;
	[sflag:s0] =	ssyncset.done @!p0 $0x0  }
0x9c: {  	[sflag:s0] =	ssyncadd.s32 @!p0 s1  }
0x9d: {  	[bflag:$0x3] =	sbarrier.arrive $0xFFFF  }
0x9e: {  	_ =	shalt  }

</sc_bundles>
